<compile_context>
chip_gen: v7x
topology: tpu7x:2x2x1
jax: 0.10.2.dev20260603
libtpu: 0.0.44.dev20260713+nightly
codegen_flags: <defaults>
</compile_context>

<pallas_src>
import functools

import jax
import jax.numpy as jnp
from jax import lax
from jax.experimental import pallas as pl
from jax.experimental.pallas import tpu as pltpu
from jax.experimental.pallas import tpu_sc as plsc

B = 16
L = 2048
D = 1024
N = 16384

NC = 2
NS = 16
NW = NC * NS
RPW = (B * L) // NW
GC = 32
NCHUNK = RPW // GC
ZP = 16
BH = N // 2


def _sc_body(src_hbm, batch_hbm, zeros_hbm, out_hbm, mask_hbm,
             batch_v, bufA, bufB, bufC, zbuf, idx2, maskbuf,
             sem_gA, sem_gB, sem_gC, sem_wA, sem_wB, sem_wC, sem_z):
    wid = lax.axis_index("s") * NC + lax.axis_index("c")
    b = wid & (B - 1)
    q = wid >> 4
    p0 = q * RPW

    pltpu.sync_copy(zeros_hbm, zbuf)

    z16 = jnp.zeros((16,), jnp.int32)
    one16 = jnp.full((16,), 1, jnp.int32)
    bvec = jnp.full((16,), b, jnp.int32)

    def scan_body(i, carry):
        lt, le = carry
        v = batch_v[pl.ds(i * 16, 16)]
        lt = lt + jnp.where(v < bvec, one16, z16)
        le = le + jnp.where(v <= bvec, one16, z16)
        return lt, le

    pltpu.sync_copy(batch_hbm.at[pl.ds(0, BH)], batch_v)
    lt, le = lax.fori_loop(0, BH // 16, scan_body, (z16, z16))
    pltpu.sync_copy(batch_hbm.at[pl.ds(BH, BH)], batch_v)
    lt, le = lax.fori_loop(0, BH // 16, scan_body, (lt, le))
    start_b = jnp.sum(lt)
    end_b = jnp.sum(le)
    count_b = end_b - start_b

    validb = jnp.minimum(count_b, L)
    src0 = start_b
    obase = b * L

    nfullg = validb // GC
    remg = validb - nfullg * GC

    nfull = (nfullg - q + 1) // 2
    has_bnd = jnp.where((remg > 0) & ((nfullg & 1) == q), 1, 0)
    jbnd = (nfullg - q) // 2

    iota16 = lax.iota(jnp.int32, 16)

    def ochunk(j):
        return obase + (2 * j + q) * GC

    jz0 = nfull + has_bnd

    def zero_start(k, _):
        row = ochunk(k // (GC // ZP)) + (k % (GC // ZP)) * ZP
        pltpu.make_async_copy(zbuf, out_hbm.at[pl.ds(row, ZP)],
                              sem_z).start()
        return 0

    lax.fori_loop(jz0 * (GC // ZP), NCHUNK * (GC // ZP), zero_start, 0)

    pmax = jnp.maximum(validb - 1, 0)
    qGC = q * GC

    def idx_body(k, _):
        j = k // (GC // 16)
        col = (k % (GC // 16)) * 16
        p = (jnp.full((16,), j * 2 * GC + qGC + col, jnp.int32) + iota16)
        pc = jnp.minimum(p, jnp.full((16,), pmax, jnp.int32))
        idx2[j, pl.ds(col, 16)] = pc + jnp.full((16,), src0, jnp.int32)
        return 0

    lax.fori_loop(0, jz0 * (GC // 16), idx_body, 0)

    def gather_start(j, buf, sem):
        pltpu.make_async_copy(src_hbm.at[idx2.at[j]], buf, sem).start()

    def gather_wait(buf, sem):
        pltpu.make_async_copy(src_hbm.at[idx2.at[0]], buf, sem).wait()

    def write_start(j, buf, sem):
        pltpu.make_async_copy(buf, out_hbm.at[pl.ds(ochunk(j), GC)],
                              sem).start()

    def write_wait(buf, sem):
        pltpu.make_async_copy(buf, out_hbm.at[pl.ds(obase + p0, GC)],
                              sem).wait()

    bufs = (bufA, bufB, bufC)
    gsems = (sem_gA, sem_gB, sem_gC)
    wsems = (sem_wA, sem_wB, sem_wC)

    def pipe_iter(j, s):
        sp = (s + 2) % 3

        @pl.when(j >= 3)
        def _():
            write_wait(bufs[s], wsems[s])
        gather_start(j, bufs[s], gsems[s])

        @pl.when(j >= 1)
        def _():
            gather_wait(bufs[sp], gsems[sp])
            write_start(j - 1, bufs[sp], wsems[sp])

    def pipe_body(j, _):
        for s in range(3):
            @pl.when(j % 3 == s)
            def _(s=s):
                pipe_iter(j, s)
        return 0

    lax.fori_loop(0, nfull, pipe_body, 0)

    @pl.when(nfull >= 1)
    def _epilogue():
        jl = nfull - 1
        for s in range(3):
            @pl.when(jl % 3 == s)
            def _(s=s):
                gather_wait(bufs[s], gsems[s])
                write_start(jl, bufs[s], wsems[s])
                write_wait(bufs[s], wsems[s])

                @pl.when(nfull >= 2)
                def _():
                    write_wait(bufs[(s + 2) % 3], wsems[(s + 2) % 3])

                @pl.when(nfull >= 3)
                def _():
                    write_wait(bufs[(s + 1) % 3], wsems[(s + 1) % 3])

    @pl.when(has_bnd > 0)
    def _boundary():
        pltpu.async_copy(src_hbm.at[idx2.at[jbnd]], bufA, sem_gA).wait()

        def zrow(r, _):
            def zcol(k, _):
                bufA[r, pl.ds(k * 16, 16)] = jnp.zeros((16,), jnp.float32)
                return 0
            lax.fori_loop(0, D // 16, zcol, 0)
            return 0

        lax.fori_loop(remg, GC, zrow, 0)
        pltpu.sync_copy(bufA, out_hbm.at[pl.ds(ochunk(jbnd), GC)])

    cb = jnp.full((16,), count_b, jnp.int32)

    def mask_body(j, _):
        p = jnp.full((16,), p0 + j * 16, jnp.int32) + iota16
        maskbuf[pl.ds(j * 16, 16)] = jnp.where(p < cb, one16, z16)
        return 0

    lax.fori_loop(0, RPW // 16, mask_body, 0)
    pltpu.sync_copy(maskbuf, mask_hbm.at[pl.ds(obase + p0, RPW)])

    def zero_drain(k, _):
        pltpu.make_async_copy(zbuf, out_hbm.at[pl.ds(obase + p0, ZP)],
                              sem_z).wait()
        return 0

    lax.fori_loop(jz0 * (GC // ZP), NCHUNK * (GC // ZP), zero_drain, 0)


@functools.partial(
    pl.kernel,
    out_type=(jax.ShapeDtypeStruct((B * L, D), jnp.float32),
              jax.ShapeDtypeStruct((B * L,), jnp.int32)),
    mesh=plsc.VectorSubcoreMesh(core_axis_name="c", subcore_axis_name="s",
                                num_cores=NC, num_subcores=NS),
    scratch_types=[
        pltpu.VMEM((BH,), jnp.int32),
        pltpu.VMEM((GC, D), jnp.float32),
        pltpu.VMEM((GC, D), jnp.float32),
        pltpu.VMEM((GC, D), jnp.float32),
        pltpu.VMEM((ZP, D), jnp.float32),
        pltpu.VMEM((NCHUNK, GC), jnp.int32),
        pltpu.VMEM((RPW,), jnp.int32),
        pltpu.SemaphoreType.DMA,
        pltpu.SemaphoreType.DMA,
        pltpu.SemaphoreType.DMA,
        pltpu.SemaphoreType.DMA,
        pltpu.SemaphoreType.DMA,
        pltpu.SemaphoreType.DMA,
        pltpu.SemaphoreType.DMA,
    ],
    compiler_params=pltpu.CompilerParams(needs_layout_passes=False),
)
def _sc_kernel(src_hbm, batch_hbm, zeros_hbm, out_hbm, mask_hbm,
               batch_v, bufA, bufB, bufC, zbuf, idx2, maskbuf,
               sem_gA, sem_gB, sem_gC, sem_wA, sem_wB, sem_wC, sem_z):
    _sc_body(src_hbm, batch_hbm, zeros_hbm, out_hbm, mask_hbm,
             batch_v, bufA, bufB, bufC, zbuf, idx2, maskbuf,
             sem_gA, sem_gB, sem_gC, sem_wA, sem_wB, sem_wC, sem_z)


@jax.jit
def kernel(src, batch):
    zeros = jnp.zeros((ZP, D), jnp.float32)
    padded_flat, mask_flat = _sc_kernel(src, batch.astype(jnp.int32), zeros)
    return padded_flat.reshape(B, L, D), mask_flat.reshape(B, L) != 0

# --- scband reference (transcript-rebuilt; emitter-appended) ---
"""Pipeline reference for scband-unbatch-and-pad-63204738728436 (READ-ONLY COPY).

The authoritative reference and input builder live on the scoring server;
editing this copy changes nothing except your own understanding.
"""

import jax, jax.numpy as jnp
import numpy as np

B = 16
L = 2048
D = 1024
N = 16384

def setup_inputs(seed: int = 0) -> dict:
    key = jax.random.key(seed)
    k1, k2 = jax.random.split(key)
    src = jax.random.normal(k1, (N, D), dtype=jnp.float32)
    batch = jnp.sort(jax.random.randint(k2, (N,), 0, B))
    return {"src": src, "batch": batch}

def reference(src, batch):
    # unbatch: segment boundaries from sorted batch vector
    counts = jnp.bincount(batch, length=B)
    starts = jnp.concatenate([jnp.zeros((1,), counts.dtype), jnp.cumsum(counts)[:-1]])
    # position of each token within its own set
    pos = jnp.arange(src.shape[0], dtype=counts.dtype) - starts[batch]
    # pad_sets_to_max_size: scatter tokens into [B, max_set_size, D]
    padded = jnp.zeros((B, L, D), dtype=src.dtype).at[batch, pos].set(src, mode='drop')
    # mask: True where a real (non-padding) element is present
    masks = jnp.arange(L)[None, :] < counts[:, None]
    return padded, masks

if __name__ == "__main__":
    import jax
    _d = setup_inputs()
    print(jax.jit(kernel)(*tuple(_d.values())))

</pallas_src>

<mosaic_0001>
#map = affine_map<(d0, d1) -> (0, 0)>
#map1 = affine_map<(d0, d1) -> (0)>
module attributes {stable_mosaic.version = 14 : i64} {
  func.func @_sc_kernel(%arg0: i32, %arg1: i32, %arg2: memref<16384x1024xf32, #tpu.memory_space<hbm>>, %arg3: memref<16384xi32, #tpu.memory_space<hbm>>, %arg4: memref<16x1024xf32, #tpu.memory_space<hbm>>, %arg5: memref<32768x1024xf32, #tpu.memory_space<hbm>>, %arg6: memref<32768xi32, #tpu.memory_space<hbm>>, %arg7: memref<8192xi32, #tpu.memory_space<vmem>>, %arg8: memref<32x1024xf32, #tpu.memory_space<vmem>>, %arg9: memref<32x1024xf32, #tpu.memory_space<vmem>>, %arg10: memref<32x1024xf32, #tpu.memory_space<vmem>>, %arg11: memref<16x1024xf32, #tpu.memory_space<vmem>>, %arg12: memref<32x32xi32, #tpu.memory_space<vmem>>, %arg13: memref<1024xi32, #tpu.memory_space<vmem>>, %arg14: memref<!tpu.dma_semaphore, #tpu.memory_space<semaphore_mem>>, %arg15: memref<!tpu.dma_semaphore, #tpu.memory_space<semaphore_mem>>, %arg16: memref<!tpu.dma_semaphore, #tpu.memory_space<semaphore_mem>>, %arg17: memref<!tpu.dma_semaphore, #tpu.memory_space<semaphore_mem>>, %arg18: memref<!tpu.dma_semaphore, #tpu.memory_space<semaphore_mem>>, %arg19: memref<!tpu.dma_semaphore, #tpu.memory_space<semaphore_mem>>, %arg20: memref<!tpu.dma_semaphore, #tpu.memory_space<semaphore_mem>>) attributes {dimension_semantics = [#tpu.dimension_semantics<core_parallel>, #tpu.dimension_semantics<subcore_parallel>], iteration_bounds = array<i64: 2, 16>, scalar_prefetch = 0 : i64, scratch_operands = 14 : i64, tpu.core_type = #tpu.core_type<sc_vector_subcore>, window_params = [{transform_indices = #map}, {transform_indices = #map1}, {transform_indices = #map}, {transform_indices = #map}, {transform_indices = #map1}]} {
    %mul3A = arith.constant 2 : i32
    %mul3A_0 = arith.muli %arg1, %mul3A : i32
    %add3A = arith.addi %mul3A_0, %arg0 : i32
    %and3A = arith.constant 15 : i32
    %and3A_1 = arith.andi %add3A, %and3A : i32
    %shift_right_arithmetic3A = arith.constant 4 : i32
    %shift_right_arithmetic3A_2 = arith.shrsi %add3A, %shift_right_arithmetic3A : i32
    %mul3A_3 = arith.constant 1024 : i32
    %mul3A_4 = arith.muli %shift_right_arithmetic3A_2, %mul3A_3 : i32
    "tpu.region"() ({
      %run_scoped3A = tpu.sem_alloc : memref<!tpu.dma_semaphore, #tpu.memory_space<semaphore_mem>>
      tpu.enqueue_dma source(%arg4 : memref<16x1024xf32, #tpu.memory_space<hbm>>) target(%arg11 : memref<16x1024xf32, #tpu.memory_space<vmem>>) target_semaphore(%run_scoped3A : memref<!tpu.dma_semaphore, #tpu.memory_space<semaphore_mem>>)
      tpu.wait_dma2 semaphore(%run_scoped3A : memref<!tpu.dma_semaphore, #tpu.memory_space<semaphore_mem>>) src(%arg4 : memref<16x1024xf32, #tpu.memory_space<hbm>>) dst(%arg11 : memref<16x1024xf32, #tpu.memory_space<vmem>>)
      tpu.yield
    }) : () -> ()
    %broadcast_in_dim3A = arith.constant 0 : i32
    %broadcast_in_dim3A_5 = vector.broadcast %broadcast_in_dim3A : i32 to vector<16xi32>
    %broadcast_in_dim3A_6 = arith.constant 1 : i32
    %broadcast_in_dim3A_7 = vector.broadcast %broadcast_in_dim3A_6 : i32 to vector<16xi32>
    %broadcast_in_dim3A_8 = vector.broadcast %and3A_1 : i32 to vector<16xi32>
    "tpu.region"() ({
      %run_scoped3A = tpu.sem_alloc : memref<!tpu.dma_semaphore, #tpu.memory_space<semaphore_mem>>
      %dma_start3A = arith.constant 0 : i32
      %dma_start3A_185 = tpu.memref_slice %arg3[%dma_start3A] : memref<16384xi32, #tpu.memory_space<hbm>> -> memref<8192xi32, #tpu.memory_space<hbm>>
      %dma_start3A_186 = arith.constant 0 : i32
      %dma_start3A_187 = tpu.memref_slice %arg3[%dma_start3A_186] : memref<16384xi32, #tpu.memory_space<hbm>> -> memref<8192xi32, #tpu.memory_space<hbm>>
      tpu.enqueue_dma source(%dma_start3A_187 : memref<8192xi32, #tpu.memory_space<hbm>>) target(%arg7 : memref<8192xi32, #tpu.memory_space<vmem>>) target_semaphore(%run_scoped3A : memref<!tpu.dma_semaphore, #tpu.memory_space<semaphore_mem>>)
      %dma_wait3A = arith.constant 0 : i32
      %dma_wait3A_188 = tpu.memref_slice %arg3[%dma_wait3A] : memref<16384xi32, #tpu.memory_space<hbm>> -> memref<8192xi32, #tpu.memory_space<hbm>>
      %dma_wait3A_189 = arith.constant 0 : i32
      %dma_wait3A_190 = tpu.memref_slice %arg3[%dma_wait3A_189] : memref<16384xi32, #tpu.memory_space<hbm>> -> memref<8192xi32, #tpu.memory_space<hbm>>
      tpu.wait_dma2 semaphore(%run_scoped3A : memref<!tpu.dma_semaphore, #tpu.memory_space<semaphore_mem>>) src(%dma_wait3A_190 : memref<8192xi32, #tpu.memory_space<hbm>>) dst(%arg7 : memref<8192xi32, #tpu.memory_space<vmem>>)
      tpu.yield
    }) : () -> ()
    %scan3A = arith.constant 0 : i32
    %scan3A_9 = arith.constant 512 : i32
    %scan3A_10 = arith.addi %scan3A, %scan3A_9 : i32
    %scan3A_11 = arith.constant 1 : i32
    %scan3A_12:2 = scf.for %scan3A_185 = %scan3A to %scan3A_10 step %scan3A_11 iter_args(%scan3A_186 = %broadcast_in_dim3A_5, %scan3A_187 = %broadcast_in_dim3A_5) -> (vector<16xi32>, vector<16xi32>)  : i32 {
      %mul3A_188 = arith.constant 16 : i32
      %mul3A_189 = arith.muli %scan3A_185, %mul3A_188 : i32
      %get3A = arith.index_cast %mul3A_189 : i32 to index
      %get3A_190 = tpu.vector_load %arg7[%get3A] {strides = array<i32>} : memref<8192xi32, #tpu.memory_space<vmem>>, vector<16xi32>,
      %lt3A = arith.cmpi slt, %get3A_190, %broadcast_in_dim3A_8 : vector<16xi32>
      %select_n3A_191 = arith.select %lt3A, %broadcast_in_dim3A_7, %broadcast_in_dim3A_5 : vector<16xi1>, vector<16xi32>
      %add3A_192 = arith.addi %scan3A_186, %select_n3A_191 : vector<16xi32>
      %le3A = arith.cmpi sle, %get3A_190, %broadcast_in_dim3A_8 : vector<16xi32>
      %select_n3A_193 = arith.select %le3A, %broadcast_in_dim3A_7, %broadcast_in_dim3A_5 : vector<16xi1>, vector<16xi32>
      %add3A_194 = arith.addi %scan3A_187, %select_n3A_193 : vector<16xi32>
      scf.yield %add3A_192, %add3A_194 : vector<16xi32>, vector<16xi32>
    }
    %scan3A_13 = arith.constant 512 : i32
    "tpu.region"() ({
      %run_scoped3A = tpu.sem_alloc : memref<!tpu.dma_semaphore, #tpu.memory_space<semaphore_mem>>
      %dma_start3A = arith.constant 8192 : i32
      %dma_start3A_185 = tpu.memref_slice %arg3[%dma_start3A] : memref<16384xi32, #tpu.memory_space<hbm>> -> memref<8192xi32, #tpu.memory_space<hbm>>
      %dma_start3A_186 = arith.constant 8192 : i32
      %dma_start3A_187 = tpu.memref_slice %arg3[%dma_start3A_186] : memref<16384xi32, #tpu.memory_space<hbm>> -> memref<8192xi32, #tpu.memory_space<hbm>>
      tpu.enqueue_dma source(%dma_start3A_187 : memref<8192xi32, #tpu.memory_space<hbm>>) target(%arg7 : memref<8192xi32, #tpu.memory_space<vmem>>) target_semaphore(%run_scoped3A : memref<!tpu.dma_semaphore, #tpu.memory_space<semaphore_mem>>)
      %dma_wait3A = arith.constant 8192 : i32
      %dma_wait3A_188 = tpu.memref_slice %arg3[%dma_wait3A] : memref<16384xi32, #tpu.memory_space<hbm>> -> memref<8192xi32, #tpu.memory_space<hbm>>
      %dma_wait3A_189 = arith.constant 8192 : i32
      %dma_wait3A_190 = tpu.memref_slice %arg3[%dma_wait3A_189] : memref<16384xi32, #tpu.memory_space<hbm>> -> memref<8192xi32, #tpu.memory_space<hbm>>
      tpu.wait_dma2 semaphore(%run_scoped3A : memref<!tpu.dma_semaphore, #tpu.memory_space<semaphore_mem>>) src(%dma_wait3A_190 : memref<8192xi32, #tpu.memory_space<hbm>>) dst(%arg7 : memref<8192xi32, #tpu.memory_space<vmem>>)
      tpu.yield
    }) : () -> ()
    %scan3A_14 = arith.constant 0 : i32
    %scan3A_15 = arith.constant 512 : i32
    %scan3A_16 = arith.addi %scan3A_14, %scan3A_15 : i32
    %scan3A_17 = arith.constant 1 : i32
    %scan3A_18:2 = scf.for %scan3A_185 = %scan3A_14 to %scan3A_16 step %scan3A_17 iter_args(%scan3A_186 = %scan3A_12#0, %scan3A_187 = %scan3A_12#1) -> (vector<16xi32>, vector<16xi32>)  : i32 {
      %mul3A_188 = arith.constant 16 : i32
      %mul3A_189 = arith.muli %scan3A_185, %mul3A_188 : i32
      %get3A = arith.index_cast %mul3A_189 : i32 to index
      %get3A_190 = tpu.vector_load %arg7[%get3A] {strides = array<i32>} : memref<8192xi32, #tpu.memory_space<vmem>>, vector<16xi32>,
      %lt3A = arith.cmpi slt, %get3A_190, %broadcast_in_dim3A_8 : vector<16xi32>
      %select_n3A_191 = arith.select %lt3A, %broadcast_in_dim3A_7, %broadcast_in_dim3A_5 : vector<16xi1>, vector<16xi32>
      %add3A_192 = arith.addi %scan3A_186, %select_n3A_191 : vector<16xi32>
      %le3A = arith.cmpi sle, %get3A_190, %broadcast_in_dim3A_8 : vector<16xi32>
      %select_n3A_193 = arith.select %le3A, %broadcast_in_dim3A_7, %broadcast_in_dim3A_5 : vector<16xi1>, vector<16xi32>
      %add3A_194 = arith.addi %scan3A_187, %select_n3A_193 : vector<16xi32>
      scf.yield %add3A_192, %add3A_194 : vector<16xi32>, vector<16xi32>
    }
    %scan3A_19 = arith.constant 512 : i32
    %reduce_sum3A = arith.constant true
    %reduce_sum3A_20 = vector.broadcast %reduce_sum3A : i1 to vector<16xi1>
    %reduce_sum3A_21 = tpu.scan <sum>, %scan3A_18#0 masked %reduce_sum3A_20 : vector<16xi32>, vector<16xi1> -> vector<16xi32>
    %reduce_sum3A_22 = vector.extract %reduce_sum3A_21[15] : i32 from vector<16xi32>
    %reduce_sum3A_23 = arith.constant true
    %reduce_sum3A_24 = vector.broadcast %reduce_sum3A_23 : i1 to vector<16xi1>
    %reduce_sum3A_25 = tpu.scan <sum>, %scan3A_18#1 masked %reduce_sum3A_24 : vector<16xi32>, vector<16xi1> -> vector<16xi32>
    %reduce_sum3A_26 = vector.extract %reduce_sum3A_25[15] : i32 from vector<16xi32>
    %sub3A = arith.subi %reduce_sum3A_26, %reduce_sum3A_22 : i32
    %min3A = arith.constant 2048 : i32
    %min3A_27 = arith.minsi %sub3A, %min3A : i32
    %mul3A_28 = arith.constant 2048 : i32
    %mul3A_29 = arith.muli %and3A_1, %mul3A_28 : i32
    %jit3A = arith.constant 32 : i32
    %div3A = arith.divsi %min3A_27, %jit3A : i32
    %sign3A = arith.constant 0 : i32
    %sign3A_30 = arith.cmpi sgt, %min3A_27, %sign3A : i32
    %sign3A_31 = arith.extui %sign3A_30 : i1 to i32
    %sign3A_32 = arith.constant 0 : i32
    %sign3A_33 = arith.cmpi slt, %min3A_27, %sign3A_32 : i32
    %sign3A_34 = arith.extui %sign3A_33 : i1 to i32
    %sign3A_35 = arith.subi %sign3A_31, %sign3A_34 : i32
    %sign3A_36 = arith.constant 0 : i32
    %sign3A_37 = arith.cmpi sgt, %jit3A, %sign3A_36 : i32
    %sign3A_38 = arith.extui %sign3A_37 : i1 to i32
    %sign3A_39 = arith.constant 0 : i32
    %sign3A_40 = arith.cmpi slt, %jit3A, %sign3A_39 : i32
    %sign3A_41 = arith.extui %sign3A_40 : i1 to i32
    %sign3A_42 = arith.subi %sign3A_38, %sign3A_41 : i32
    %ne3A = arith.cmpi ne, %sign3A_35, %sign3A_42 : i32
    %rem3A = arith.remsi %min3A_27, %jit3A : i32
    %ne3A_43 = arith.constant 0 : i32
    %ne3A_44 = arith.cmpi ne, %rem3A, %ne3A_43 : i32
    %and3A_45 = arith.andi %ne3A, %ne3A_44 : i1
    %sub3A_46 = arith.constant 1 : i32
    %sub3A_47 = arith.subi %div3A, %sub3A_46 : i32
    %select_n3A = arith.select %and3A_45, %sub3A_47, %div3A : i32
    %mul3A_48 = arith.constant 32 : i32
    %mul3A_49 = arith.muli %select_n3A, %mul3A_48 : i32
    %sub3A_50 = arith.subi %min3A_27, %mul3A_49 : i32
    %sub3A_51 = arith.subi %select_n3A, %shift_right_arithmetic3A_2 : i32
    %add3A_52 = arith.constant 1 : i32
    %add3A_53 = arith.addi %sub3A_51, %add3A_52 : i32
    %jit3A_54 = arith.constant 2 : i32
    %div3A_55 = arith.divsi %add3A_53, %jit3A_54 : i32
    %sign3A_56 = arith.constant 0 : i32
    %sign3A_57 = arith.cmpi sgt, %add3A_53, %sign3A_56 : i32
    %sign3A_58 = arith.extui %sign3A_57 : i1 to i32
    %sign3A_59 = arith.constant 0 : i32
    %sign3A_60 = arith.cmpi slt, %add3A_53, %sign3A_59 : i32
    %sign3A_61 = arith.extui %sign3A_60 : i1 to i32
    %sign3A_62 = arith.subi %sign3A_58, %sign3A_61 : i32
    %sign3A_63 = arith.constant 0 : i32
    %sign3A_64 = arith.cmpi sgt, %jit3A_54, %sign3A_63 : i32
    %sign3A_65 = arith.extui %sign3A_64 : i1 to i32
    %sign3A_66 = arith.constant 0 : i32
    %sign3A_67 = arith.cmpi slt, %jit3A_54, %sign3A_66 : i32
    %sign3A_68 = arith.extui %sign3A_67 : i1 to i32
    %sign3A_69 = arith.subi %sign3A_65, %sign3A_68 : i32
    %ne3A_70 = arith.cmpi ne, %sign3A_62, %sign3A_69 : i32
    %rem3A_71 = arith.remsi %add3A_53, %jit3A_54 : i32
    %ne3A_72 = arith.constant 0 : i32
    %ne3A_73 = arith.cmpi ne, %rem3A_71, %ne3A_72 : i32
    %and3A_74 = arith.andi %ne3A_70, %ne3A_73 : i1
    %sub3A_75 = arith.constant 1 : i32
    %sub3A_76 = arith.subi %div3A_55, %sub3A_75 : i32
    %select_n3A_77 = arith.select %and3A_74, %sub3A_76, %div3A_55 : i32
    %gt3A = arith.constant 0 : i32
    %gt3A_78 = arith.cmpi sgt, %sub3A_50, %gt3A : i32
    %and3A_79 = arith.constant 1 : i32
    %and3A_80 = arith.andi %select_n3A, %and3A_79 : i32
    %eq3A = arith.cmpi eq, %and3A_80, %shift_right_arithmetic3A_2 : i32
    %and3A_81 = arith.andi %gt3A_78, %eq3A : i1
    %jit3A_82 = arith.constant 1 : i32
    %jit3A_83 = arith.constant 0 : i32
    %select_n3A_84 = arith.select %and3A_81, %jit3A_82, %jit3A_83 : i32
    %sub3A_85 = arith.subi %select_n3A, %shift_right_arithmetic3A_2 : i32
    %jit3A_86 = arith.constant 2 : i32
    %div3A_87 = arith.divsi %sub3A_85, %jit3A_86 : i32
    %sign3A_88 = arith.constant 0 : i32
    %sign3A_89 = arith.cmpi sgt, %sub3A_85, %sign3A_88 : i32
    %sign3A_90 = arith.extui %sign3A_89 : i1 to i32
    %sign3A_91 = arith.constant 0 : i32
    %sign3A_92 = arith.cmpi slt, %sub3A_85, %sign3A_91 : i32
    %sign3A_93 = arith.extui %sign3A_92 : i1 to i32
    %sign3A_94 = arith.subi %sign3A_90, %sign3A_93 : i32
    %sign3A_95 = arith.constant 0 : i32
    %sign3A_96 = arith.cmpi sgt, %jit3A_86, %sign3A_95 : i32
    %sign3A_97 = arith.extui %sign3A_96 : i1 to i32
    %sign3A_98 = arith.constant 0 : i32
    %sign3A_99 = arith.cmpi slt, %jit3A_86, %sign3A_98 : i32
    %sign3A_100 = arith.extui %sign3A_99 : i1 to i32
    %sign3A_101 = arith.subi %sign3A_97, %sign3A_100 : i32
    %ne3A_102 = arith.cmpi ne, %sign3A_94, %sign3A_101 : i32
    %rem3A_103 = arith.remsi %sub3A_85, %jit3A_86 : i32
    %ne3A_104 = arith.constant 0 : i32
    %ne3A_105 = arith.cmpi ne, %rem3A_103, %ne3A_104 : i32
    %and3A_106 = arith.andi %ne3A_102, %ne3A_105 : i1
    %sub3A_107 = arith.constant 1 : i32
    %sub3A_108 = arith.subi %div3A_87, %sub3A_107 : i32
    %select_n3A_109 = arith.select %and3A_106, %sub3A_108, %div3A_87 : i32
    %iota3A = tpu.iota {dimensions = array<i32: 0>} : vector<16xi32>
    %add3A_110 = arith.addi %select_n3A_77, %select_n3A_84 : i32
    %mul3A_111 = arith.constant 2 : i32
    %mul3A_112 = arith.muli %add3A_110, %mul3A_111 : i32
    %while3A = arith.constant 64 : i32
    %while3A_113 = arith.constant 0 : i32
    %while3A_114 = arith.subi %while3A, %mul3A_112 : i32
    %while3A_115 = arith.addi %mul3A_112, %while3A_114 : i32
    %while3A_116 = arith.constant 1 : i32
    %while3A_117 = arith.divsi %while3A_114, %while3A_116 : i32
    %while3A_118 = arith.muli %while3A_117, %while3A_116 : i32
    %while3A_119 = arith.addi %mul3A_112, %while3A_118 : i32
    %while3A_120 = arith.constant 1 : i32
    %while3A_121 = scf.for %while3A_185 = %mul3A_112 to %while3A_119 step %while3A_120 iter_args(%while3A_186 = %while3A_113) -> (i32)  : i32 {
      %jit3A_187 = arith.constant 2 : i32
      %div3A_188 = arith.divsi %while3A_185, %jit3A_187 : i32
      %sign3A_189 = arith.constant 0 : i32
      %sign3A_190 = arith.cmpi sgt, %while3A_185, %sign3A_189 : i32
      %sign3A_191 = arith.extui %sign3A_190 : i1 to i32
      %sign3A_192 = arith.constant 0 : i32
      %sign3A_193 = arith.cmpi slt, %while3A_185, %sign3A_192 : i32
      %sign3A_194 = arith.extui %sign3A_193 : i1 to i32
      %sign3A_195 = arith.subi %sign3A_191, %sign3A_194 : i32
      %sign3A_196 = arith.constant 0 : i32
      %sign3A_197 = arith.cmpi sgt, %jit3A_187, %sign3A_196 : i32
      %sign3A_198 = arith.extui %sign3A_197 : i1 to i32
      %sign3A_199 = arith.constant 0 : i32
      %sign3A_200 = arith.cmpi slt, %jit3A_187, %sign3A_199 : i32
      %sign3A_201 = arith.extui %sign3A_200 : i1 to i32
      %sign3A_202 = arith.subi %sign3A_198, %sign3A_201 : i32
      %ne3A_203 = arith.cmpi ne, %sign3A_195, %sign3A_202 : i32
      %rem3A_204 = arith.remsi %while3A_185, %jit3A_187 : i32
      %ne3A_205 = arith.constant 0 : i32
      %ne3A_206 = arith.cmpi ne, %rem3A_204, %ne3A_205 : i32
      %and3A_207 = arith.andi %ne3A_203, %ne3A_206 : i1
      %sub3A_208 = arith.constant 1 : i32
      %sub3A_209 = arith.subi %div3A_188, %sub3A_208 : i32
      %select_n3A_210 = arith.select %and3A_207, %sub3A_209, %div3A_188 : i32
      %mul3A_211 = arith.constant 2 : i32
      %mul3A_212 = arith.muli %mul3A_211, %select_n3A_210 : i32
      %add3A_213 = arith.addi %mul3A_212, %shift_right_arithmetic3A_2 : i32
      %mul3A_214 = arith.constant 32 : i32
      %mul3A_215 = arith.muli %add3A_213, %mul3A_214 : i32
      %add3A_216 = arith.addi %mul3A_29, %mul3A_215 : i32
      %jit3A_217 = arith.constant 2 : i32
      %eq3A_218 = arith.constant 0 : i32
      %eq3A_219 = arith.cmpi eq, %jit3A_217, %eq3A_218 : i32
      %jit3A_220 = arith.constant 1 : i32
      %select_n3A_221 = arith.select %eq3A_219, %jit3A_220, %jit3A_217 : i32
      %rem3A_222 = arith.remsi %while3A_185, %select_n3A_221 : i32
      %ne3A_223 = arith.constant 0 : i32
      %ne3A_224 = arith.cmpi ne, %rem3A_222, %ne3A_223 : i32
      %lt3A = arith.constant 0 : i32
      %lt3A_225 = arith.cmpi slt, %rem3A_222, %lt3A : i32
      %lt3A_226 = arith.constant 0 : i32
      %lt3A_227 = arith.cmpi slt, %select_n3A_221, %lt3A_226 : i32
      %ne3A_228 = arith.xori %lt3A_225, %lt3A_227 : i1
      %and3A_229 = arith.andi %ne3A_228, %ne3A_224 : i1
      %add3A_230 = arith.addi %rem3A_222, %select_n3A_221 : i32
      %select_n3A_231 = arith.select %and3A_229, %add3A_230, %rem3A_222 : i32
      %mul3A_232 = arith.constant 16 : i32
      %mul3A_233 = arith.muli %select_n3A_231, %mul3A_232 : i32
      %add3A_234 = arith.addi %add3A_216, %mul3A_233 : i32
      %dma_start3A = arith.constant 0 : i32
      %dma_start3A_235 = tpu.memref_slice %arg5[%add3A_234, %dma_start3A] : memref<32768x1024xf32, #tpu.memory_space<hbm>> -> memref<16x1024xf32, #tpu.memory_space<hbm>>
      %dma_start3A_236 = arith.constant 0 : i32
      %dma_start3A_237 = tpu.memref_slice %arg5[%add3A_234, %dma_start3A_236] : memref<32768x1024xf32, #tpu.memory_space<hbm>> -> memref<16x1024xf32, #tpu.memory_space<hbm>>
      tpu.enqueue_dma source(%arg11 : memref<16x1024xf32, #tpu.memory_space<vmem>>) target(%dma_start3A_237 : memref<16x1024xf32, #tpu.memory_space<hbm>>) target_semaphore(%arg20 : memref<!tpu.dma_semaphore, #tpu.memory_space<semaphore_mem>>)
      %while3A_238 = arith.constant 0 : i32
      scf.yield %while3A_238 : i32
    }
    %while3A_122 = arith.constant 1 : i32
    %while3A_123 = scf.for %while3A_185 = %while3A_119 to %while3A_115 step %while3A_122 iter_args(%while3A_186 = %while3A_121) -> (i32)  : i32 {
      %jit3A_187 = arith.constant 2 : i32
      %div3A_188 = arith.divsi %while3A_185, %jit3A_187 : i32
      %sign3A_189 = arith.constant 0 : i32
      %sign3A_190 = arith.cmpi sgt, %while3A_185, %sign3A_189 : i32
      %sign3A_191 = arith.extui %sign3A_190 : i1 to i32
      %sign3A_192 = arith.constant 0 : i32
      %sign3A_193 = arith.cmpi slt, %while3A_185, %sign3A_192 : i32
      %sign3A_194 = arith.extui %sign3A_193 : i1 to i32
      %sign3A_195 = arith.subi %sign3A_191, %sign3A_194 : i32
      %sign3A_196 = arith.constant 0 : i32
      %sign3A_197 = arith.cmpi sgt, %jit3A_187, %sign3A_196 : i32
      %sign3A_198 = arith.extui %sign3A_197 : i1 to i32
      %sign3A_199 = arith.constant 0 : i32
      %sign3A_200 = arith.cmpi slt, %jit3A_187, %sign3A_199 : i32
      %sign3A_201 = arith.extui %sign3A_200 : i1 to i32
      %sign3A_202 = arith.subi %sign3A_198, %sign3A_201 : i32
      %ne3A_203 = arith.cmpi ne, %sign3A_195, %sign3A_202 : i32
      %rem3A_204 = arith.remsi %while3A_185, %jit3A_187 : i32
      %ne3A_205 = arith.constant 0 : i32
      %ne3A_206 = arith.cmpi ne, %rem3A_204, %ne3A_205 : i32
      %and3A_207 = arith.andi %ne3A_203, %ne3A_206 : i1
      %sub3A_208 = arith.constant 1 : i32
      %sub3A_209 = arith.subi %div3A_188, %sub3A_208 : i32
      %select_n3A_210 = arith.select %and3A_207, %sub3A_209, %div3A_188 : i32
      %mul3A_211 = arith.constant 2 : i32
      %mul3A_212 = arith.muli %mul3A_211, %select_n3A_210 : i32
      %add3A_213 = arith.addi %mul3A_212, %shift_right_arithmetic3A_2 : i32
      %mul3A_214 = arith.constant 32 : i32
      %mul3A_215 = arith.muli %add3A_213, %mul3A_214 : i32
      %add3A_216 = arith.addi %mul3A_29, %mul3A_215 : i32
      %jit3A_217 = arith.constant 2 : i32
      %eq3A_218 = arith.constant 0 : i32
      %eq3A_219 = arith.cmpi eq, %jit3A_217, %eq3A_218 : i32
      %jit3A_220 = arith.constant 1 : i32
      %select_n3A_221 = arith.select %eq3A_219, %jit3A_220, %jit3A_217 : i32
      %rem3A_222 = arith.remsi %while3A_185, %select_n3A_221 : i32
      %ne3A_223 = arith.constant 0 : i32
      %ne3A_224 = arith.cmpi ne, %rem3A_222, %ne3A_223 : i32
      %lt3A = arith.constant 0 : i32
      %lt3A_225 = arith.cmpi slt, %rem3A_222, %lt3A : i32
      %lt3A_226 = arith.constant 0 : i32
      %lt3A_227 = arith.cmpi slt, %select_n3A_221, %lt3A_226 : i32
      %ne3A_228 = arith.xori %lt3A_225, %lt3A_227 : i1
      %and3A_229 = arith.andi %ne3A_228, %ne3A_224 : i1
      %add3A_230 = arith.addi %rem3A_222, %select_n3A_221 : i32
      %select_n3A_231 = arith.select %and3A_229, %add3A_230, %rem3A_222 : i32
      %mul3A_232 = arith.constant 16 : i32
      %mul3A_233 = arith.muli %select_n3A_231, %mul3A_232 : i32
      %add3A_234 = arith.addi %add3A_216, %mul3A_233 : i32
      %dma_start3A = arith.constant 0 : i32
      %dma_start3A_235 = tpu.memref_slice %arg5[%add3A_234, %dma_start3A] : memref<32768x1024xf32, #tpu.memory_space<hbm>> -> memref<16x1024xf32, #tpu.memory_space<hbm>>
      %dma_start3A_236 = arith.constant 0 : i32
      %dma_start3A_237 = tpu.memref_slice %arg5[%add3A_234, %dma_start3A_236] : memref<32768x1024xf32, #tpu.memory_space<hbm>> -> memref<16x1024xf32, #tpu.memory_space<hbm>>
      tpu.enqueue_dma source(%arg11 : memref<16x1024xf32, #tpu.memory_space<vmem>>) target(%dma_start3A_237 : memref<16x1024xf32, #tpu.memory_space<hbm>>) target_semaphore(%arg20 : memref<!tpu.dma_semaphore, #tpu.memory_space<semaphore_mem>>)
      %while3A_238 = arith.constant 0 : i32
      scf.yield %while3A_238 : i32
    }
    %sub3A_124 = arith.constant 1 : i32
    %sub3A_125 = arith.subi %min3A_27, %sub3A_124 : i32
    %max3A = arith.constant 0 : i32
    %max3A_126 = arith.maxsi %sub3A_125, %max3A : i32
    %mul3A_127 = arith.constant 32 : i32
    %mul3A_128 = arith.muli %shift_right_arithmetic3A_2, %mul3A_127 : i32
    %mul3A_129 = arith.constant 2 : i32
    %mul3A_130 = arith.muli %add3A_110, %mul3A_129 : i32
    %while3A_131 = arith.constant 0 : i32
    %while3A_132 = arith.constant 0 : i32
    %while3A_133 = arith.subi %mul3A_130, %while3A_131 : i32
    %while3A_134 = arith.addi %while3A_131, %while3A_133 : i32
    %while3A_135 = arith.constant 1 : i32
    %while3A_136 = arith.divsi %while3A_133, %while3A_135 : i32
    %while3A_137 = arith.muli %while3A_136, %while3A_135 : i32
    %while3A_138 = arith.addi %while3A_131, %while3A_137 : i32
    %while3A_139 = arith.constant 1 : i32
    %while3A_140 = scf.for %while3A_185 = %while3A_131 to %while3A_138 step %while3A_139 iter_args(%while3A_186 = %while3A_132) -> (i32)  : i32 {
      %jit3A_187 = arith.constant 2 : i32
      %div3A_188 = arith.divsi %while3A_185, %jit3A_187 : i32
      %sign3A_189 = arith.constant 0 : i32
      %sign3A_190 = arith.cmpi sgt, %while3A_185, %sign3A_189 : i32
      %sign3A_191 = arith.extui %sign3A_190 : i1 to i32
      %sign3A_192 = arith.constant 0 : i32
      %sign3A_193 = arith.cmpi slt, %while3A_185, %sign3A_192 : i32
      %sign3A_194 = arith.extui %sign3A_193 : i1 to i32
      %sign3A_195 = arith.subi %sign3A_191, %sign3A_194 : i32
      %sign3A_196 = arith.constant 0 : i32
      %sign3A_197 = arith.cmpi sgt, %jit3A_187, %sign3A_196 : i32
      %sign3A_198 = arith.extui %sign3A_197 : i1 to i32
      %sign3A_199 = arith.constant 0 : i32
      %sign3A_200 = arith.cmpi slt, %jit3A_187, %sign3A_199 : i32
      %sign3A_201 = arith.extui %sign3A_200 : i1 to i32
      %sign3A_202 = arith.subi %sign3A_198, %sign3A_201 : i32
      %ne3A_203 = arith.cmpi ne, %sign3A_195, %sign3A_202 : i32
      %rem3A_204 = arith.remsi %while3A_185, %jit3A_187 : i32
      %ne3A_205 = arith.constant 0 : i32
      %ne3A_206 = arith.cmpi ne, %rem3A_204, %ne3A_205 : i32
      %and3A_207 = arith.andi %ne3A_203, %ne3A_206 : i1
      %sub3A_208 = arith.constant 1 : i32
      %sub3A_209 = arith.subi %div3A_188, %sub3A_208 : i32
      %select_n3A_210 = arith.select %and3A_207, %sub3A_209, %div3A_188 : i32
      %jit3A_211 = arith.constant 2 : i32
      %eq3A_212 = arith.constant 0 : i32
      %eq3A_213 = arith.cmpi eq, %jit3A_211, %eq3A_212 : i32
      %jit3A_214 = arith.constant 1 : i32
      %select_n3A_215 = arith.select %eq3A_213, %jit3A_214, %jit3A_211 : i32
      %rem3A_216 = arith.remsi %while3A_185, %select_n3A_215 : i32
      %ne3A_217 = arith.constant 0 : i32
      %ne3A_218 = arith.cmpi ne, %rem3A_216, %ne3A_217 : i32
      %lt3A = arith.constant 0 : i32
      %lt3A_219 = arith.cmpi slt, %rem3A_216, %lt3A : i32
      %lt3A_220 = arith.constant 0 : i32
      %lt3A_221 = arith.cmpi slt, %select_n3A_215, %lt3A_220 : i32
      %ne3A_222 = arith.xori %lt3A_219, %lt3A_221 : i1
      %and3A_223 = arith.andi %ne3A_222, %ne3A_218 : i1
      %add3A_224 = arith.addi %rem3A_216, %select_n3A_215 : i32
      %select_n3A_225 = arith.select %and3A_223, %add3A_224, %rem3A_216 : i32
      %mul3A_226 = arith.constant 16 : i32
      %mul3A_227 = arith.muli %select_n3A_225, %mul3A_226 : i32
      %mul3A_228 = arith.constant 2 : i32
      %mul3A_229 = arith.muli %select_n3A_210, %mul3A_228 : i32
      %mul3A_230 = arith.constant 32 : i32
      %mul3A_231 = arith.muli %mul3A_229, %mul3A_230 : i32
      %add3A_232 = arith.addi %mul3A_231, %mul3A_128 : i32
      %add3A_233 = arith.addi %add3A_232, %mul3A_227 : i32
      %broadcast_in_dim3A_234 = vector.broadcast %add3A_233 : i32 to vector<16xi32>
      %add3A_235 = arith.addi %broadcast_in_dim3A_234, %iota3A : vector<16xi32>
      %broadcast_in_dim3A_236 = vector.broadcast %max3A_126 : i32 to vector<16xi32>
      %min3A_237 = arith.minsi %add3A_235, %broadcast_in_dim3A_236 : vector<16xi32>
      %broadcast_in_dim3A_238 = vector.broadcast %reduce_sum3A_22 : i32 to vector<16xi32>
      %add3A_239 = arith.addi %min3A_237, %broadcast_in_dim3A_238 : vector<16xi32>
      %swap3A = arith.index_cast %select_n3A_210 : i32 to index
      %swap3A_240 = arith.index_cast %mul3A_227 : i32 to index
      %swap3A_241 = tpu.vector_load %arg12[%swap3A, %swap3A_240] {strides = array<i32>} : memref<32x32xi32, #tpu.memory_space<vmem>>, vector<16xi32>,
      tpu.vector_store %arg12[%swap3A, %swap3A_240], %add3A_239 {strides = array<i32>} : memref<32x32xi32, #tpu.memory_space<vmem>>, vector<16xi32>,
      %while3A_242 = arith.constant 0 : i32
      scf.yield %while3A_242 : i32
    }
    %while3A_141 = arith.constant 1 : i32
    %while3A_142 = scf.for %while3A_185 = %while3A_138 to %while3A_134 step %while3A_141 iter_args(%while3A_186 = %while3A_140) -> (i32)  : i32 {
      %jit3A_187 = arith.constant 2 : i32
      %div3A_188 = arith.divsi %while3A_185, %jit3A_187 : i32
      %sign3A_189 = arith.constant 0 : i32
      %sign3A_190 = arith.cmpi sgt, %while3A_185, %sign3A_189 : i32
      %sign3A_191 = arith.extui %sign3A_190 : i1 to i32
      %sign3A_192 = arith.constant 0 : i32
      %sign3A_193 = arith.cmpi slt, %while3A_185, %sign3A_192 : i32
      %sign3A_194 = arith.extui %sign3A_193 : i1 to i32
      %sign3A_195 = arith.subi %sign3A_191, %sign3A_194 : i32
      %sign3A_196 = arith.constant 0 : i32
      %sign3A_197 = arith.cmpi sgt, %jit3A_187, %sign3A_196 : i32
      %sign3A_198 = arith.extui %sign3A_197 : i1 to i32
      %sign3A_199 = arith.constant 0 : i32
      %sign3A_200 = arith.cmpi slt, %jit3A_187, %sign3A_199 : i32
      %sign3A_201 = arith.extui %sign3A_200 : i1 to i32
      %sign3A_202 = arith.subi %sign3A_198, %sign3A_201 : i32
      %ne3A_203 = arith.cmpi ne, %sign3A_195, %sign3A_202 : i32
      %rem3A_204 = arith.remsi %while3A_185, %jit3A_187 : i32
      %ne3A_205 = arith.constant 0 : i32
      %ne3A_206 = arith.cmpi ne, %rem3A_204, %ne3A_205 : i32
      %and3A_207 = arith.andi %ne3A_203, %ne3A_206 : i1
      %sub3A_208 = arith.constant 1 : i32
      %sub3A_209 = arith.subi %div3A_188, %sub3A_208 : i32
      %select_n3A_210 = arith.select %and3A_207, %sub3A_209, %div3A_188 : i32
      %jit3A_211 = arith.constant 2 : i32
      %eq3A_212 = arith.constant 0 : i32
      %eq3A_213 = arith.cmpi eq, %jit3A_211, %eq3A_212 : i32
      %jit3A_214 = arith.constant 1 : i32
      %select_n3A_215 = arith.select %eq3A_213, %jit3A_214, %jit3A_211 : i32
      %rem3A_216 = arith.remsi %while3A_185, %select_n3A_215 : i32
      %ne3A_217 = arith.constant 0 : i32
      %ne3A_218 = arith.cmpi ne, %rem3A_216, %ne3A_217 : i32
      %lt3A = arith.constant 0 : i32
      %lt3A_219 = arith.cmpi slt, %rem3A_216, %lt3A : i32
      %lt3A_220 = arith.constant 0 : i32
      %lt3A_221 = arith.cmpi slt, %select_n3A_215, %lt3A_220 : i32
      %ne3A_222 = arith.xori %lt3A_219, %lt3A_221 : i1
      %and3A_223 = arith.andi %ne3A_222, %ne3A_218 : i1
      %add3A_224 = arith.addi %rem3A_216, %select_n3A_215 : i32
      %select_n3A_225 = arith.select %and3A_223, %add3A_224, %rem3A_216 : i32
      %mul3A_226 = arith.constant 16 : i32
      %mul3A_227 = arith.muli %select_n3A_225, %mul3A_226 : i32
      %mul3A_228 = arith.constant 2 : i32
      %mul3A_229 = arith.muli %select_n3A_210, %mul3A_228 : i32
      %mul3A_230 = arith.constant 32 : i32
      %mul3A_231 = arith.muli %mul3A_229, %mul3A_230 : i32
      %add3A_232 = arith.addi %mul3A_231, %mul3A_128 : i32
      %add3A_233 = arith.addi %add3A_232, %mul3A_227 : i32
      %broadcast_in_dim3A_234 = vector.broadcast %add3A_233 : i32 to vector<16xi32>
      %add3A_235 = arith.addi %broadcast_in_dim3A_234, %iota3A : vector<16xi32>
      %broadcast_in_dim3A_236 = vector.broadcast %max3A_126 : i32 to vector<16xi32>
      %min3A_237 = arith.minsi %add3A_235, %broadcast_in_dim3A_236 : vector<16xi32>
      %broadcast_in_dim3A_238 = vector.broadcast %reduce_sum3A_22 : i32 to vector<16xi32>
      %add3A_239 = arith.addi %min3A_237, %broadcast_in_dim3A_238 : vector<16xi32>
      %swap3A = arith.index_cast %select_n3A_210 : i32 to index
      %swap3A_240 = arith.index_cast %mul3A_227 : i32 to index
      %swap3A_241 = tpu.vector_load %arg12[%swap3A, %swap3A_240] {strides = array<i32>} : memref<32x32xi32, #tpu.memory_space<vmem>>, vector<16xi32>,
      tpu.vector_store %arg12[%swap3A, %swap3A_240], %add3A_239 {strides = array<i32>} : memref<32x32xi32, #tpu.memory_space<vmem>>, vector<16xi32>,
      %while3A_242 = arith.constant 0 : i32
      scf.yield %while3A_242 : i32
    }
    %while3A_143 = arith.constant 0 : i32
    %while3A_144 = arith.constant 0 : i32
    %while3A_145 = arith.subi %select_n3A_77, %while3A_143 : i32
    %while3A_146 = arith.addi %while3A_143, %while3A_145 : i32
    %while3A_147 = arith.constant 1 : i32
    %while3A_148 = arith.divsi %while3A_145, %while3A_147 : i32
    %while3A_149 = arith.muli %while3A_148, %while3A_147 : i32
    %while3A_150 = arith.addi %while3A_143, %while3A_149 : i32
    %while3A_151 = arith.constant 1 : i32
    %while3A_152 = scf.for %while3A_185 = %while3A_143 to %while3A_150 step %while3A_151 iter_args(%while3A_186 = %while3A_144) -> (i32)  : i32 {
      %jit3A_187 = arith.constant 3 : i32
      %eq3A_188 = arith.constant 0 : i32
      %eq3A_189 = arith.cmpi eq, %jit3A_187, %eq3A_188 : i32
      %jit3A_190 = arith.constant 1 : i32
      %select_n3A_191 = arith.select %eq3A_189, %jit3A_190, %jit3A_187 : i32
      %rem3A_192 = arith.remsi %while3A_185, %select_n3A_191 : i32
      %ne3A_193 = arith.constant 0 : i32
      %ne3A_194 = arith.cmpi ne, %rem3A_192, %ne3A_193 : i32
      %lt3A = arith.constant 0 : i32
      %lt3A_195 = arith.cmpi slt, %rem3A_192, %lt3A : i32
      %lt3A_196 = arith.constant 0 : i32
      %lt3A_197 = arith.cmpi slt, %select_n3A_191, %lt3A_196 : i32
      %ne3A_198 = arith.xori %lt3A_195, %lt3A_197 : i1
      %and3A_199 = arith.andi %ne3A_198, %ne3A_194 : i1
      %add3A_200 = arith.addi %rem3A_192, %select_n3A_191 : i32
      %select_n3A_201 = arith.select %and3A_199, %add3A_200, %rem3A_192 : i32
      %eq3A_202 = arith.constant 0 : i32
      %eq3A_203 = arith.cmpi eq, %select_n3A_201, %eq3A_202 : i32
      %convert_element_type3A_204 = arith.extui %eq3A_203 : i1 to i32
      %cond3A_205 = arith.constant 0 : i32
      %cond3A_206 = arith.cmpi ne, %convert_element_type3A_204, %cond3A_205 : i32
      scf.if %cond3A_206 {
        %ge3A_250 = arith.constant 3 : i32
        %ge3A_251 = arith.cmpi sge, %while3A_185, %ge3A_250 : i32
        %convert_element_type3A_252 = arith.extui %ge3A_251 : i1 to i32
        %cond3A_253 = arith.constant 0 : i32
        %cond3A_254 = arith.cmpi ne, %convert_element_type3A_252, %cond3A_253 : i32
        scf.if %cond3A_254 {
          %add3A_265 = arith.addi %mul3A_29, %mul3A_4 : i32
          %dma_wait3A = arith.constant 0 : i32
          %dma_wait3A_266 = tpu.memref_slice %arg5[%add3A_265, %dma_wait3A] : memref<32768x1024xf32, #tpu.memory_space<hbm>> -> memref<32x1024xf32, #tpu.memory_space<hbm>>
          %dma_wait3A_267 = arith.constant 0 : i32
          %dma_wait3A_268 = tpu.memref_slice %arg5[%add3A_265, %dma_wait3A_267] : memref<32768x1024xf32, #tpu.memory_space<hbm>> -> memref<32x1024xf32, #tpu.memory_space<hbm>>
          tpu.wait_dma2 semaphore(%arg17 : memref<!tpu.dma_semaphore, #tpu.memory_space<semaphore_mem>>) src(%arg8 : memref<32x1024xf32, #tpu.memory_space<vmem>>) dst(%dma_wait3A_268 : memref<32x1024xf32, #tpu.memory_space<hbm>>)
        } else {
        }
        %dma_start3A = arith.constant 0 : i32
        %dma_start3A_255 = tpu.memref_slice %arg12[%while3A_185, %dma_start3A] : memref<32x32xi32, #tpu.memory_space<vmem>> -> memref<1x32xi32, #tpu.memory_space<vmem>>
        %dma_start3A_256 = tpu.memref_squeeze %dma_start3A_255 : memref<1x32xi32, #tpu.memory_space<vmem>> -> memref<32xi32, #tpu.memory_space<vmem>>
        %dma_start3A_257 = arith.constant 0 : i32
        %dma_start3A_258 = arith.constant 0 : i32
        %dma_start3A_259 = tpu.memref_slice %arg2[%dma_start3A_257, %dma_start3A_258] : memref<16384x1024xf32, #tpu.memory_space<hbm>> -> memref<16384x1024xf32, #tpu.memory_space<hbm>>
        tpu.enqueue_indirect_dma source(%dma_start3A_259 : memref<16384x1024xf32, #tpu.memory_space<hbm>>) target(%arg8 : memref<32x1024xf32, #tpu.memory_space<vmem>>) offsets(%dma_start3A_256 : memref<32xi32, #tpu.memory_space<vmem>>) semaphore(%arg14 : memref<!tpu.dma_semaphore, #tpu.memory_space<semaphore_mem>>)
        %ge3A_260 = arith.constant 1 : i32
        %ge3A_261 = arith.cmpi sge, %while3A_185, %ge3A_260 : i32
        %convert_element_type3A_262 = arith.extui %ge3A_261 : i1 to i32
        %cond3A_263 = arith.constant 0 : i32
        %cond3A_264 = arith.cmpi ne, %convert_element_type3A_262, %cond3A_263 : i32
        scf.if %cond3A_264 {
          %dma_wait3A = arith.constant 0 : i32
          %dma_wait3A_265 = arith.constant 0 : i32
          %dma_wait3A_266 = tpu.memref_slice %arg12[%dma_wait3A, %dma_wait3A_265] : memref<32x32xi32, #tpu.memory_space<vmem>> -> memref<1x32xi32, #tpu.memory_space<vmem>>
          %dma_wait3A_267 = tpu.memref_squeeze %dma_wait3A_266 : memref<1x32xi32, #tpu.memory_space<vmem>> -> memref<32xi32, #tpu.memory_space<vmem>>
          %dma_wait3A_268 = arith.constant 0 : i32
          %dma_wait3A_269 = arith.constant 0 : i32
          %dma_wait3A_270 = tpu.memref_slice %arg2[%dma_wait3A_268, %dma_wait3A_269] : memref<16384x1024xf32, #tpu.memory_space<hbm>> -> memref<16384x1024xf32, #tpu.memory_space<hbm>>
          tpu.wait_indirect_dma semaphore(%arg16 : memref<!tpu.dma_semaphore, #tpu.memory_space<semaphore_mem>>) src(%dma_wait3A_270 : memref<16384x1024xf32, #tpu.memory_space<hbm>>) dst(%arg10 : memref<32x1024xf32, #tpu.memory_space<vmem>>)
          %sub3A_271 = arith.constant 1 : i32
          %sub3A_272 = arith.subi %while3A_185, %sub3A_271 : i32
          %mul3A_273 = arith.constant 2 : i32
          %mul3A_274 = arith.muli %mul3A_273, %sub3A_272 : i32
          %add3A_275 = arith.addi %mul3A_274, %shift_right_arithmetic3A_2 : i32
          %mul3A_276 = arith.constant 32 : i32
          %mul3A_277 = arith.muli %add3A_275, %mul3A_276 : i32
          %add3A_278 = arith.addi %mul3A_29, %mul3A_277 : i32
          %dma_start3A_279 = arith.constant 0 : i32
          %dma_start3A_280 = tpu.memref_slice %arg5[%add3A_278, %dma_start3A_279] : memref<32768x1024xf32, #tpu.memory_space<hbm>> -> memref<32x1024xf32, #tpu.memory_space<hbm>>
          %dma_start3A_281 = arith.constant 0 : i32
          %dma_start3A_282 = tpu.memref_slice %arg5[%add3A_278, %dma_start3A_281] : memref<32768x1024xf32, #tpu.memory_space<hbm>> -> memref<32x1024xf32, #tpu.memory_space<hbm>>
          tpu.enqueue_dma source(%arg10 : memref<32x1024xf32, #tpu.memory_space<vmem>>) target(%dma_start3A_282 : memref<32x1024xf32, #tpu.memory_space<hbm>>) target_semaphore(%arg19 : memref<!tpu.dma_semaphore, #tpu.memory_space<semaphore_mem>>)
        } else {
        }
      } else {
      }
      %jit3A_207 = arith.constant 3 : i32
      %eq3A_208 = arith.constant 0 : i32
      %eq3A_209 = arith.cmpi eq, %jit3A_207, %eq3A_208 : i32
      %jit3A_210 = arith.constant 1 : i32
      %select_n3A_211 = arith.select %eq3A_209, %jit3A_210, %jit3A_207 : i32
      %rem3A_212 = arith.remsi %while3A_185, %select_n3A_211 : i32
      %ne3A_213 = arith.constant 0 : i32
      %ne3A_214 = arith.cmpi ne, %rem3A_212, %ne3A_213 : i32
      %lt3A_215 = arith.constant 0 : i32
      %lt3A_216 = arith.cmpi slt, %rem3A_212, %lt3A_215 : i32
      %lt3A_217 = arith.constant 0 : i32
      %lt3A_218 = arith.cmpi slt, %select_n3A_211, %lt3A_217 : i32
      %ne3A_219 = arith.xori %lt3A_216, %lt3A_218 : i1
      %and3A_220 = arith.andi %ne3A_219, %ne3A_214 : i1
      %add3A_221 = arith.addi %rem3A_212, %select_n3A_211 : i32
      %select_n3A_222 = arith.select %and3A_220, %add3A_221, %rem3A_212 : i32
      %eq3A_223 = arith.constant 1 : i32
      %eq3A_224 = arith.cmpi eq, %select_n3A_222, %eq3A_223 : i32
      %convert_element_type3A_225 = arith.extui %eq3A_224 : i1 to i32
      %cond3A_226 = arith.constant 0 : i32
      %cond3A_227 = arith.cmpi ne, %convert_element_type3A_225, %cond3A_226 : i32
      scf.if %cond3A_227 {
        %ge3A_250 = arith.constant 3 : i32
        %ge3A_251 = arith.cmpi sge, %while3A_185, %ge3A_250 : i32
        %convert_element_type3A_252 = arith.extui %ge3A_251 : i1 to i32
        %cond3A_253 = arith.constant 0 : i32
        %cond3A_254 = arith.cmpi ne, %convert_element_type3A_252, %cond3A_253 : i32
        scf.if %cond3A_254 {
          %add3A_265 = arith.addi %mul3A_29, %mul3A_4 : i32
          %dma_wait3A = arith.constant 0 : i32
          %dma_wait3A_266 = tpu.memref_slice %arg5[%add3A_265, %dma_wait3A] : memref<32768x1024xf32, #tpu.memory_space<hbm>> -> memref<32x1024xf32, #tpu.memory_space<hbm>>
          %dma_wait3A_267 = arith.constant 0 : i32
          %dma_wait3A_268 = tpu.memref_slice %arg5[%add3A_265, %dma_wait3A_267] : memref<32768x1024xf32, #tpu.memory_space<hbm>> -> memref<32x1024xf32, #tpu.memory_space<hbm>>
          tpu.wait_dma2 semaphore(%arg18 : memref<!tpu.dma_semaphore, #tpu.memory_space<semaphore_mem>>) src(%arg9 : memref<32x1024xf32, #tpu.memory_space<vmem>>) dst(%dma_wait3A_268 : memref<32x1024xf32, #tpu.memory_space<hbm>>)
        } else {
        }
        %dma_start3A = arith.constant 0 : i32
        %dma_start3A_255 = tpu.memref_slice %arg12[%while3A_185, %dma_start3A] : memref<32x32xi32, #tpu.memory_space<vmem>> -> memref<1x32xi32, #tpu.memory_space<vmem>>
        %dma_start3A_256 = tpu.memref_squeeze %dma_start3A_255 : memref<1x32xi32, #tpu.memory_space<vmem>> -> memref<32xi32, #tpu.memory_space<vmem>>
        %dma_start3A_257 = arith.constant 0 : i32
        %dma_start3A_258 = arith.constant 0 : i32
        %dma_start3A_259 = tpu.memref_slice %arg2[%dma_start3A_257, %dma_start3A_258] : memref<16384x1024xf32, #tpu.memory_space<hbm>> -> memref<16384x1024xf32, #tpu.memory_space<hbm>>
        tpu.enqueue_indirect_dma source(%dma_start3A_259 : memref<16384x1024xf32, #tpu.memory_space<hbm>>) target(%arg9 : memref<32x1024xf32, #tpu.memory_space<vmem>>) offsets(%dma_start3A_256 : memref<32xi32, #tpu.memory_space<vmem>>) semaphore(%arg15 : memref<!tpu.dma_semaphore, #tpu.memory_space<semaphore_mem>>)
        %ge3A_260 = arith.constant 1 : i32
        %ge3A_261 = arith.cmpi sge, %while3A_185, %ge3A_260 : i32
        %convert_element_type3A_262 = arith.extui %ge3A_261 : i1 to i32
        %cond3A_263 = arith.constant 0 : i32
        %cond3A_264 = arith.cmpi ne, %convert_element_type3A_262, %cond3A_263 : i32
        scf.if %cond3A_264 {
          %dma_wait3A = arith.constant 0 : i32
          %dma_wait3A_265 = arith.constant 0 : i32
          %dma_wait3A_266 = tpu.memref_slice %arg12[%dma_wait3A, %dma_wait3A_265] : memref<32x32xi32, #tpu.memory_space<vmem>> -> memref<1x32xi32, #tpu.memory_space<vmem>>
          %dma_wait3A_267 = tpu.memref_squeeze %dma_wait3A_266 : memref<1x32xi32, #tpu.memory_space<vmem>> -> memref<32xi32, #tpu.memory_space<vmem>>
          %dma_wait3A_268 = arith.constant 0 : i32
          %dma_wait3A_269 = arith.constant 0 : i32
          %dma_wait3A_270 = tpu.memref_slice %arg2[%dma_wait3A_268, %dma_wait3A_269] : memref<16384x1024xf32, #tpu.memory_space<hbm>> -> memref<16384x1024xf32, #tpu.memory_space<hbm>>
          tpu.wait_indirect_dma semaphore(%arg14 : memref<!tpu.dma_semaphore, #tpu.memory_space<semaphore_mem>>) src(%dma_wait3A_270 : memref<16384x1024xf32, #tpu.memory_space<hbm>>) dst(%arg8 : memref<32x1024xf32, #tpu.memory_space<vmem>>)
          %sub3A_271 = arith.constant 1 : i32
          %sub3A_272 = arith.subi %while3A_185, %sub3A_271 : i32
          %mul3A_273 = arith.constant 2 : i32
          %mul3A_274 = arith.muli %mul3A_273, %sub3A_272 : i32
          %add3A_275 = arith.addi %mul3A_274, %shift_right_arithmetic3A_2 : i32
          %mul3A_276 = arith.constant 32 : i32
          %mul3A_277 = arith.muli %add3A_275, %mul3A_276 : i32
          %add3A_278 = arith.addi %mul3A_29, %mul3A_277 : i32
          %dma_start3A_279 = arith.constant 0 : i32
          %dma_start3A_280 = tpu.memref_slice %arg5[%add3A_278, %dma_start3A_279] : memref<32768x1024xf32, #tpu.memory_space<hbm>> -> memref<32x1024xf32, #tpu.memory_space<hbm>>
          %dma_start3A_281 = arith.constant 0 : i32
          %dma_start3A_282 = tpu.memref_slice %arg5[%add3A_278, %dma_start3A_281] : memref<32768x1024xf32, #tpu.memory_space<hbm>> -> memref<32x1024xf32, #tpu.memory_space<hbm>>
          tpu.enqueue_dma source(%arg8 : memref<32x1024xf32, #tpu.memory_space<vmem>>) target(%dma_start3A_282 : memref<32x1024xf32, #tpu.memory_space<hbm>>) target_semaphore(%arg17 : memref<!tpu.dma_semaphore, #tpu.memory_space<semaphore_mem>>)
        } else {
        }
      } else {
      }
      %jit3A_228 = arith.constant 3 : i32
      %eq3A_229 = arith.constant 0 : i32
      %eq3A_230 = arith.cmpi eq, %jit3A_228, %eq3A_229 : i32
      %jit3A_231 = arith.constant 1 : i32
      %select_n3A_232 = arith.select %eq3A_230, %jit3A_231, %jit3A_228 : i32
      %rem3A_233 = arith.remsi %while3A_185, %select_n3A_232 : i32
      %ne3A_234 = arith.constant 0 : i32
      %ne3A_235 = arith.cmpi ne, %rem3A_233, %ne3A_234 : i32
      %lt3A_236 = arith.constant 0 : i32
      %lt3A_237 = arith.cmpi slt, %rem3A_233, %lt3A_236 : i32
      %lt3A_238 = arith.constant 0 : i32
      %lt3A_239 = arith.cmpi slt, %select_n3A_232, %lt3A_238 : i32
      %ne3A_240 = arith.xori %lt3A_237, %lt3A_239 : i1
      %and3A_241 = arith.andi %ne3A_240, %ne3A_235 : i1
      %add3A_242 = arith.addi %rem3A_233, %select_n3A_232 : i32
      %select_n3A_243 = arith.select %and3A_241, %add3A_242, %rem3A_233 : i32
      %eq3A_244 = arith.constant 2 : i32
      %eq3A_245 = arith.cmpi eq, %select_n3A_243, %eq3A_244 : i32
      %convert_element_type3A_246 = arith.extui %eq3A_245 : i1 to i32
      %cond3A_247 = arith.constant 0 : i32
      %cond3A_248 = arith.cmpi ne, %convert_element_type3A_246, %cond3A_247 : i32
      scf.if %cond3A_248 {
        %ge3A_250 = arith.constant 3 : i32
        %ge3A_251 = arith.cmpi sge, %while3A_185, %ge3A_250 : i32
        %convert_element_type3A_252 = arith.extui %ge3A_251 : i1 to i32
        %cond3A_253 = arith.constant 0 : i32
        %cond3A_254 = arith.cmpi ne, %convert_element_type3A_252, %cond3A_253 : i32
        scf.if %cond3A_254 {
          %add3A_265 = arith.addi %mul3A_29, %mul3A_4 : i32
          %dma_wait3A = arith.constant 0 : i32
          %dma_wait3A_266 = tpu.memref_slice %arg5[%add3A_265, %dma_wait3A] : memref<32768x1024xf32, #tpu.memory_space<hbm>> -> memref<32x1024xf32, #tpu.memory_space<hbm>>
          %dma_wait3A_267 = arith.constant 0 : i32
          %dma_wait3A_268 = tpu.memref_slice %arg5[%add3A_265, %dma_wait3A_267] : memref<32768x1024xf32, #tpu.memory_space<hbm>> -> memref<32x1024xf32, #tpu.memory_space<hbm>>
          tpu.wait_dma2 semaphore(%arg19 : memref<!tpu.dma_semaphore, #tpu.memory_space<semaphore_mem>>) src(%arg10 : memref<32x1024xf32, #tpu.memory_space<vmem>>) dst(%dma_wait3A_268 : memref<32x1024xf32, #tpu.memory_space<hbm>>)
        } else {
        }
        %dma_start3A = arith.constant 0 : i32
        %dma_start3A_255 = tpu.memref_slice %arg12[%while3A_185, %dma_start3A] : memref<32x32xi32, #tpu.memory_space<vmem>> -> memref<1x32xi32, #tpu.memory_space<vmem>>
        %dma_start3A_256 = tpu.memref_squeeze %dma_start3A_255 : memref<1x32xi32, #tpu.memory_space<vmem>> -> memref<32xi32, #tpu.memory_space<vmem>>
        %dma_start3A_257 = arith.constant 0 : i32
        %dma_start3A_258 = arith.constant 0 : i32
        %dma_start3A_259 = tpu.memref_slice %arg2[%dma_start3A_257, %dma_start3A_258] : memref<16384x1024xf32, #tpu.memory_space<hbm>> -> memref<16384x1024xf32, #tpu.memory_space<hbm>>
        tpu.enqueue_indirect_dma source(%dma_start3A_259 : memref<16384x1024xf32, #tpu.memory_space<hbm>>) target(%arg10 : memref<32x1024xf32, #tpu.memory_space<vmem>>) offsets(%dma_start3A_256 : memref<32xi32, #tpu.memory_space<vmem>>) semaphore(%arg16 : memref<!tpu.dma_semaphore, #tpu.memory_space<semaphore_mem>>)
        %ge3A_260 = arith.constant 1 : i32
        %ge3A_261 = arith.cmpi sge, %while3A_185, %ge3A_260 : i32
        %convert_element_type3A_262 = arith.extui %ge3A_261 : i1 to i32
        %cond3A_263 = arith.constant 0 : i32
        %cond3A_264 = arith.cmpi ne, %convert_element_type3A_262, %cond3A_263 : i32
        scf.if %cond3A_264 {
          %dma_wait3A = arith.constant 0 : i32
          %dma_wait3A_265 = arith.constant 0 : i32
          %dma_wait3A_266 = tpu.memref_slice %arg12[%dma_wait3A, %dma_wait3A_265] : memref<32x32xi32, #tpu.memory_space<vmem>> -> memref<1x32xi32, #tpu.memory_space<vmem>>
          %dma_wait3A_267 = tpu.memref_squeeze %dma_wait3A_266 : memref<1x32xi32, #tpu.memory_space<vmem>> -> memref<32xi32, #tpu.memory_space<vmem>>
          %dma_wait3A_268 = arith.constant 0 : i32
          %dma_wait3A_269 = arith.constant 0 : i32
          %dma_wait3A_270 = tpu.memref_slice %arg2[%dma_wait3A_268, %dma_wait3A_269] : memref<16384x1024xf32, #tpu.memory_space<hbm>> -> memref<16384x1024xf32, #tpu.memory_space<hbm>>
          tpu.wait_indirect_dma semaphore(%arg15 : memref<!tpu.dma_semaphore, #tpu.memory_space<semaphore_mem>>) src(%dma_wait3A_270 : memref<16384x1024xf32, #tpu.memory_space<hbm>>) dst(%arg9 : memref<32x1024xf32, #tpu.memory_space<vmem>>)
          %sub3A_271 = arith.constant 1 : i32
          %sub3A_272 = arith.subi %while3A_185, %sub3A_271 : i32
          %mul3A_273 = arith.constant 2 : i32
          %mul3A_274 = arith.muli %mul3A_273, %sub3A_272 : i32
          %add3A_275 = arith.addi %mul3A_274, %shift_right_arithmetic3A_2 : i32
          %mul3A_276 = arith.constant 32 : i32
          %mul3A_277 = arith.muli %add3A_275, %mul3A_276 : i32
          %add3A_278 = arith.addi %mul3A_29, %mul3A_277 : i32
          %dma_start3A_279 = arith.constant 0 : i32
          %dma_start3A_280 = tpu.memref_slice %arg5[%add3A_278, %dma_start3A_279] : memref<32768x1024xf32, #tpu.memory_space<hbm>> -> memref<32x1024xf32, #tpu.memory_space<hbm>>
          %dma_start3A_281 = arith.constant 0 : i32
          %dma_start3A_282 = tpu.memref_slice %arg5[%add3A_278, %dma_start3A_281] : memref<32768x1024xf32, #tpu.memory_space<hbm>> -> memref<32x1024xf32, #tpu.memory_space<hbm>>
          tpu.enqueue_dma source(%arg9 : memref<32x1024xf32, #tpu.memory_space<vmem>>) target(%dma_start3A_282 : memref<32x1024xf32, #tpu.memory_space<hbm>>) target_semaphore(%arg18 : memref<!tpu.dma_semaphore, #tpu.memory_space<semaphore_mem>>)
        } else {
        }
      } else {
      }
      %while3A_249 = arith.constant 0 : i32
      scf.yield %while3A_249 : i32
    }
    %while3A_153 = arith.constant 1 : i32
    %while3A_154 = scf.for %while3A_185 = %while3A_150 to %while3A_146 step %while3A_153 iter_args(%while3A_186 = %while3A_152) -> (i32)  : i32 {
      %jit3A_187 = arith.constant 3 : i32
      %eq3A_188 = arith.constant 0 : i32
      %eq3A_189 = arith.cmpi eq, %jit3A_187, %eq3A_188 : i32
      %jit3A_190 = arith.constant 1 : i32
      %select_n3A_191 = arith.select %eq3A_189, %jit3A_190, %jit3A_187 : i32
      %rem3A_192 = arith.remsi %while3A_185, %select_n3A_191 : i32
      %ne3A_193 = arith.constant 0 : i32
      %ne3A_194 = arith.cmpi ne, %rem3A_192, %ne3A_193 : i32
      %lt3A = arith.constant 0 : i32
      %lt3A_195 = arith.cmpi slt, %rem3A_192, %lt3A : i32
      %lt3A_196 = arith.constant 0 : i32
      %lt3A_197 = arith.cmpi slt, %select_n3A_191, %lt3A_196 : i32
      %ne3A_198 = arith.xori %lt3A_195, %lt3A_197 : i1
      %and3A_199 = arith.andi %ne3A_198, %ne3A_194 : i1
      %add3A_200 = arith.addi %rem3A_192, %select_n3A_191 : i32
      %select_n3A_201 = arith.select %and3A_199, %add3A_200, %rem3A_192 : i32
      %eq3A_202 = arith.constant 0 : i32
      %eq3A_203 = arith.cmpi eq, %select_n3A_201, %eq3A_202 : i32
      %convert_element_type3A_204 = arith.extui %eq3A_203 : i1 to i32
      %cond3A_205 = arith.constant 0 : i32
      %cond3A_206 = arith.cmpi ne, %convert_element_type3A_204, %cond3A_205 : i32
      scf.if %cond3A_206 {
        %ge3A_250 = arith.constant 3 : i32
        %ge3A_251 = arith.cmpi sge, %while3A_185, %ge3A_250 : i32
        %convert_element_type3A_252 = arith.extui %ge3A_251 : i1 to i32
        %cond3A_253 = arith.constant 0 : i32
        %cond3A_254 = arith.cmpi ne, %convert_element_type3A_252, %cond3A_253 : i32
        scf.if %cond3A_254 {
          %add3A_265 = arith.addi %mul3A_29, %mul3A_4 : i32
          %dma_wait3A = arith.constant 0 : i32
          %dma_wait3A_266 = tpu.memref_slice %arg5[%add3A_265, %dma_wait3A] : memref<32768x1024xf32, #tpu.memory_space<hbm>> -> memref<32x1024xf32, #tpu.memory_space<hbm>>
          %dma_wait3A_267 = arith.constant 0 : i32
          %dma_wait3A_268 = tpu.memref_slice %arg5[%add3A_265, %dma_wait3A_267] : memref<32768x1024xf32, #tpu.memory_space<hbm>> -> memref<32x1024xf32, #tpu.memory_space<hbm>>
          tpu.wait_dma2 semaphore(%arg17 : memref<!tpu.dma_semaphore, #tpu.memory_space<semaphore_mem>>) src(%arg8 : memref<32x1024xf32, #tpu.memory_space<vmem>>) dst(%dma_wait3A_268 : memref<32x1024xf32, #tpu.memory_space<hbm>>)
        } else {
        }
        %dma_start3A = arith.constant 0 : i32
        %dma_start3A_255 = tpu.memref_slice %arg12[%while3A_185, %dma_start3A] : memref<32x32xi32, #tpu.memory_space<vmem>> -> memref<1x32xi32, #tpu.memory_space<vmem>>
        %dma_start3A_256 = tpu.memref_squeeze %dma_start3A_255 : memref<1x32xi32, #tpu.memory_space<vmem>> -> memref<32xi32, #tpu.memory_space<vmem>>
        %dma_start3A_257 = arith.constant 0 : i32
        %dma_start3A_258 = arith.constant 0 : i32
        %dma_start3A_259 = tpu.memref_slice %arg2[%dma_start3A_257, %dma_start3A_258] : memref<16384x1024xf32, #tpu.memory_space<hbm>> -> memref<16384x1024xf32, #tpu.memory_space<hbm>>
        tpu.enqueue_indirect_dma source(%dma_start3A_259 : memref<16384x1024xf32, #tpu.memory_space<hbm>>) target(%arg8 : memref<32x1024xf32, #tpu.memory_space<vmem>>) offsets(%dma_start3A_256 : memref<32xi32, #tpu.memory_space<vmem>>) semaphore(%arg14 : memref<!tpu.dma_semaphore, #tpu.memory_space<semaphore_mem>>)
        %ge3A_260 = arith.constant 1 : i32
        %ge3A_261 = arith.cmpi sge, %while3A_185, %ge3A_260 : i32
        %convert_element_type3A_262 = arith.extui %ge3A_261 : i1 to i32
        %cond3A_263 = arith.constant 0 : i32
        %cond3A_264 = arith.cmpi ne, %convert_element_type3A_262, %cond3A_263 : i32
        scf.if %cond3A_264 {
          %dma_wait3A = arith.constant 0 : i32
          %dma_wait3A_265 = arith.constant 0 : i32
          %dma_wait3A_266 = tpu.memref_slice %arg12[%dma_wait3A, %dma_wait3A_265] : memref<32x32xi32, #tpu.memory_space<vmem>> -> memref<1x32xi32, #tpu.memory_space<vmem>>
          %dma_wait3A_267 = tpu.memref_squeeze %dma_wait3A_266 : memref<1x32xi32, #tpu.memory_space<vmem>> -> memref<32xi32, #tpu.memory_space<vmem>>
          %dma_wait3A_268 = arith.constant 0 : i32
          %dma_wait3A_269 = arith.constant 0 : i32
          %dma_wait3A_270 = tpu.memref_slice %arg2[%dma_wait3A_268, %dma_wait3A_269] : memref<16384x1024xf32, #tpu.memory_space<hbm>> -> memref<16384x1024xf32, #tpu.memory_space<hbm>>
          tpu.wait_indirect_dma semaphore(%arg16 : memref<!tpu.dma_semaphore, #tpu.memory_space<semaphore_mem>>) src(%dma_wait3A_270 : memref<16384x1024xf32, #tpu.memory_space<hbm>>) dst(%arg10 : memref<32x1024xf32, #tpu.memory_space<vmem>>)
          %sub3A_271 = arith.constant 1 : i32
          %sub3A_272 = arith.subi %while3A_185, %sub3A_271 : i32
          %mul3A_273 = arith.constant 2 : i32
          %mul3A_274 = arith.muli %mul3A_273, %sub3A_272 : i32
          %add3A_275 = arith.addi %mul3A_274, %shift_right_arithmetic3A_2 : i32
          %mul3A_276 = arith.constant 32 : i32
          %mul3A_277 = arith.muli %add3A_275, %mul3A_276 : i32
          %add3A_278 = arith.addi %mul3A_29, %mul3A_277 : i32
          %dma_start3A_279 = arith.constant 0 : i32
          %dma_start3A_280 = tpu.memref_slice %arg5[%add3A_278, %dma_start3A_279] : memref<32768x1024xf32, #tpu.memory_space<hbm>> -> memref<32x1024xf32, #tpu.memory_space<hbm>>
          %dma_start3A_281 = arith.constant 0 : i32
          %dma_start3A_282 = tpu.memref_slice %arg5[%add3A_278, %dma_start3A_281] : memref<32768x1024xf32, #tpu.memory_space<hbm>> -> memref<32x1024xf32, #tpu.memory_space<hbm>>
          tpu.enqueue_dma source(%arg10 : memref<32x1024xf32, #tpu.memory_space<vmem>>) target(%dma_start3A_282 : memref<32x1024xf32, #tpu.memory_space<hbm>>) target_semaphore(%arg19 : memref<!tpu.dma_semaphore, #tpu.memory_space<semaphore_mem>>)
        } else {
        }
      } else {
      }
      %jit3A_207 = arith.constant 3 : i32
      %eq3A_208 = arith.constant 0 : i32
      %eq3A_209 = arith.cmpi eq, %jit3A_207, %eq3A_208 : i32
      %jit3A_210 = arith.constant 1 : i32
      %select_n3A_211 = arith.select %eq3A_209, %jit3A_210, %jit3A_207 : i32
      %rem3A_212 = arith.remsi %while3A_185, %select_n3A_211 : i32
      %ne3A_213 = arith.constant 0 : i32
      %ne3A_214 = arith.cmpi ne, %rem3A_212, %ne3A_213 : i32
      %lt3A_215 = arith.constant 0 : i32
      %lt3A_216 = arith.cmpi slt, %rem3A_212, %lt3A_215 : i32
      %lt3A_217 = arith.constant 0 : i32
      %lt3A_218 = arith.cmpi slt, %select_n3A_211, %lt3A_217 : i32
      %ne3A_219 = arith.xori %lt3A_216, %lt3A_218 : i1
      %and3A_220 = arith.andi %ne3A_219, %ne3A_214 : i1
      %add3A_221 = arith.addi %rem3A_212, %select_n3A_211 : i32
      %select_n3A_222 = arith.select %and3A_220, %add3A_221, %rem3A_212 : i32
      %eq3A_223 = arith.constant 1 : i32
      %eq3A_224 = arith.cmpi eq, %select_n3A_222, %eq3A_223 : i32
      %convert_element_type3A_225 = arith.extui %eq3A_224 : i1 to i32
      %cond3A_226 = arith.constant 0 : i32
      %cond3A_227 = arith.cmpi ne, %convert_element_type3A_225, %cond3A_226 : i32
      scf.if %cond3A_227 {
        %ge3A_250 = arith.constant 3 : i32
        %ge3A_251 = arith.cmpi sge, %while3A_185, %ge3A_250 : i32
        %convert_element_type3A_252 = arith.extui %ge3A_251 : i1 to i32
        %cond3A_253 = arith.constant 0 : i32
        %cond3A_254 = arith.cmpi ne, %convert_element_type3A_252, %cond3A_253 : i32
        scf.if %cond3A_254 {
          %add3A_265 = arith.addi %mul3A_29, %mul3A_4 : i32
          %dma_wait3A = arith.constant 0 : i32
          %dma_wait3A_266 = tpu.memref_slice %arg5[%add3A_265, %dma_wait3A] : memref<32768x1024xf32, #tpu.memory_space<hbm>> -> memref<32x1024xf32, #tpu.memory_space<hbm>>
          %dma_wait3A_267 = arith.constant 0 : i32
          %dma_wait3A_268 = tpu.memref_slice %arg5[%add3A_265, %dma_wait3A_267] : memref<32768x1024xf32, #tpu.memory_space<hbm>> -> memref<32x1024xf32, #tpu.memory_space<hbm>>
          tpu.wait_dma2 semaphore(%arg18 : memref<!tpu.dma_semaphore, #tpu.memory_space<semaphore_mem>>) src(%arg9 : memref<32x1024xf32, #tpu.memory_space<vmem>>) dst(%dma_wait3A_268 : memref<32x1024xf32, #tpu.memory_space<hbm>>)
        } else {
        }
        %dma_start3A = arith.constant 0 : i32
        %dma_start3A_255 = tpu.memref_slice %arg12[%while3A_185, %dma_start3A] : memref<32x32xi32, #tpu.memory_space<vmem>> -> memref<1x32xi32, #tpu.memory_space<vmem>>
        %dma_start3A_256 = tpu.memref_squeeze %dma_start3A_255 : memref<1x32xi32, #tpu.memory_space<vmem>> -> memref<32xi32, #tpu.memory_space<vmem>>
        %dma_start3A_257 = arith.constant 0 : i32
        %dma_start3A_258 = arith.constant 0 : i32
        %dma_start3A_259 = tpu.memref_slice %arg2[%dma_start3A_257, %dma_start3A_258] : memref<16384x1024xf32, #tpu.memory_space<hbm>> -> memref<16384x1024xf32, #tpu.memory_space<hbm>>
        tpu.enqueue_indirect_dma source(%dma_start3A_259 : memref<16384x1024xf32, #tpu.memory_space<hbm>>) target(%arg9 : memref<32x1024xf32, #tpu.memory_space<vmem>>) offsets(%dma_start3A_256 : memref<32xi32, #tpu.memory_space<vmem>>) semaphore(%arg15 : memref<!tpu.dma_semaphore, #tpu.memory_space<semaphore_mem>>)
        %ge3A_260 = arith.constant 1 : i32
        %ge3A_261 = arith.cmpi sge, %while3A_185, %ge3A_260 : i32
        %convert_element_type3A_262 = arith.extui %ge3A_261 : i1 to i32
        %cond3A_263 = arith.constant 0 : i32
        %cond3A_264 = arith.cmpi ne, %convert_element_type3A_262, %cond3A_263 : i32
        scf.if %cond3A_264 {
          %dma_wait3A = arith.constant 0 : i32
          %dma_wait3A_265 = arith.constant 0 : i32
          %dma_wait3A_266 = tpu.memref_slice %arg12[%dma_wait3A, %dma_wait3A_265] : memref<32x32xi32, #tpu.memory_space<vmem>> -> memref<1x32xi32, #tpu.memory_space<vmem>>
          %dma_wait3A_267 = tpu.memref_squeeze %dma_wait3A_266 : memref<1x32xi32, #tpu.memory_space<vmem>> -> memref<32xi32, #tpu.memory_space<vmem>>
          %dma_wait3A_268 = arith.constant 0 : i32
          %dma_wait3A_269 = arith.constant 0 : i32
          %dma_wait3A_270 = tpu.memref_slice %arg2[%dma_wait3A_268, %dma_wait3A_269] : memref<16384x1024xf32, #tpu.memory_space<hbm>> -> memref<16384x1024xf32, #tpu.memory_space<hbm>>
          tpu.wait_indirect_dma semaphore(%arg14 : memref<!tpu.dma_semaphore, #tpu.memory_space<semaphore_mem>>) src(%dma_wait3A_270 : memref<16384x1024xf32, #tpu.memory_space<hbm>>) dst(%arg8 : memref<32x1024xf32, #tpu.memory_space<vmem>>)
          %sub3A_271 = arith.constant 1 : i32
          %sub3A_272 = arith.subi %while3A_185, %sub3A_271 : i32
          %mul3A_273 = arith.constant 2 : i32
          %mul3A_274 = arith.muli %mul3A_273, %sub3A_272 : i32
          %add3A_275 = arith.addi %mul3A_274, %shift_right_arithmetic3A_2 : i32
          %mul3A_276 = arith.constant 32 : i32
          %mul3A_277 = arith.muli %add3A_275, %mul3A_276 : i32
          %add3A_278 = arith.addi %mul3A_29, %mul3A_277 : i32
          %dma_start3A_279 = arith.constant 0 : i32
          %dma_start3A_280 = tpu.memref_slice %arg5[%add3A_278, %dma_start3A_279] : memref<32768x1024xf32, #tpu.memory_space<hbm>> -> memref<32x1024xf32, #tpu.memory_space<hbm>>
          %dma_start3A_281 = arith.constant 0 : i32
          %dma_start3A_282 = tpu.memref_slice %arg5[%add3A_278, %dma_start3A_281] : memref<32768x1024xf32, #tpu.memory_space<hbm>> -> memref<32x1024xf32, #tpu.memory_space<hbm>>
          tpu.enqueue_dma source(%arg8 : memref<32x1024xf32, #tpu.memory_space<vmem>>) target(%dma_start3A_282 : memref<32x1024xf32, #tpu.memory_space<hbm>>) target_semaphore(%arg17 : memref<!tpu.dma_semaphore, #tpu.memory_space<semaphore_mem>>)
        } else {
        }
      } else {
      }
      %jit3A_228 = arith.constant 3 : i32
      %eq3A_229 = arith.constant 0 : i32
      %eq3A_230 = arith.cmpi eq, %jit3A_228, %eq3A_229 : i32
      %jit3A_231 = arith.constant 1 : i32
      %select_n3A_232 = arith.select %eq3A_230, %jit3A_231, %jit3A_228 : i32
      %rem3A_233 = arith.remsi %while3A_185, %select_n3A_232 : i32
      %ne3A_234 = arith.constant 0 : i32
      %ne3A_235 = arith.cmpi ne, %rem3A_233, %ne3A_234 : i32
      %lt3A_236 = arith.constant 0 : i32
      %lt3A_237 = arith.cmpi slt, %rem3A_233, %lt3A_236 : i32
      %lt3A_238 = arith.constant 0 : i32
      %lt3A_239 = arith.cmpi slt, %select_n3A_232, %lt3A_238 : i32
      %ne3A_240 = arith.xori %lt3A_237, %lt3A_239 : i1
      %and3A_241 = arith.andi %ne3A_240, %ne3A_235 : i1
      %add3A_242 = arith.addi %rem3A_233, %select_n3A_232 : i32
      %select_n3A_243 = arith.select %and3A_241, %add3A_242, %rem3A_233 : i32
      %eq3A_244 = arith.constant 2 : i32
      %eq3A_245 = arith.cmpi eq, %select_n3A_243, %eq3A_244 : i32
      %convert_element_type3A_246 = arith.extui %eq3A_245 : i1 to i32
      %cond3A_247 = arith.constant 0 : i32
      %cond3A_248 = arith.cmpi ne, %convert_element_type3A_246, %cond3A_247 : i32
      scf.if %cond3A_248 {
        %ge3A_250 = arith.constant 3 : i32
        %ge3A_251 = arith.cmpi sge, %while3A_185, %ge3A_250 : i32
        %convert_element_type3A_252 = arith.extui %ge3A_251 : i1 to i32
        %cond3A_253 = arith.constant 0 : i32
        %cond3A_254 = arith.cmpi ne, %convert_element_type3A_252, %cond3A_253 : i32
        scf.if %cond3A_254 {
          %add3A_265 = arith.addi %mul3A_29, %mul3A_4 : i32
          %dma_wait3A = arith.constant 0 : i32
          %dma_wait3A_266 = tpu.memref_slice %arg5[%add3A_265, %dma_wait3A] : memref<32768x1024xf32, #tpu.memory_space<hbm>> -> memref<32x1024xf32, #tpu.memory_space<hbm>>
          %dma_wait3A_267 = arith.constant 0 : i32
          %dma_wait3A_268 = tpu.memref_slice %arg5[%add3A_265, %dma_wait3A_267] : memref<32768x1024xf32, #tpu.memory_space<hbm>> -> memref<32x1024xf32, #tpu.memory_space<hbm>>
          tpu.wait_dma2 semaphore(%arg19 : memref<!tpu.dma_semaphore, #tpu.memory_space<semaphore_mem>>) src(%arg10 : memref<32x1024xf32, #tpu.memory_space<vmem>>) dst(%dma_wait3A_268 : memref<32x1024xf32, #tpu.memory_space<hbm>>)
        } else {
        }
        %dma_start3A = arith.constant 0 : i32
        %dma_start3A_255 = tpu.memref_slice %arg12[%while3A_185, %dma_start3A] : memref<32x32xi32, #tpu.memory_space<vmem>> -> memref<1x32xi32, #tpu.memory_space<vmem>>
        %dma_start3A_256 = tpu.memref_squeeze %dma_start3A_255 : memref<1x32xi32, #tpu.memory_space<vmem>> -> memref<32xi32, #tpu.memory_space<vmem>>
        %dma_start3A_257 = arith.constant 0 : i32
        %dma_start3A_258 = arith.constant 0 : i32
        %dma_start3A_259 = tpu.memref_slice %arg2[%dma_start3A_257, %dma_start3A_258] : memref<16384x1024xf32, #tpu.memory_space<hbm>> -> memref<16384x1024xf32, #tpu.memory_space<hbm>>
        tpu.enqueue_indirect_dma source(%dma_start3A_259 : memref<16384x1024xf32, #tpu.memory_space<hbm>>) target(%arg10 : memref<32x1024xf32, #tpu.memory_space<vmem>>) offsets(%dma_start3A_256 : memref<32xi32, #tpu.memory_space<vmem>>) semaphore(%arg16 : memref<!tpu.dma_semaphore, #tpu.memory_space<semaphore_mem>>)
        %ge3A_260 = arith.constant 1 : i32
        %ge3A_261 = arith.cmpi sge, %while3A_185, %ge3A_260 : i32
        %convert_element_type3A_262 = arith.extui %ge3A_261 : i1 to i32
        %cond3A_263 = arith.constant 0 : i32
        %cond3A_264 = arith.cmpi ne, %convert_element_type3A_262, %cond3A_263 : i32
        scf.if %cond3A_264 {
          %dma_wait3A = arith.constant 0 : i32
          %dma_wait3A_265 = arith.constant 0 : i32
          %dma_wait3A_266 = tpu.memref_slice %arg12[%dma_wait3A, %dma_wait3A_265] : memref<32x32xi32, #tpu.memory_space<vmem>> -> memref<1x32xi32, #tpu.memory_space<vmem>>
          %dma_wait3A_267 = tpu.memref_squeeze %dma_wait3A_266 : memref<1x32xi32, #tpu.memory_space<vmem>> -> memref<32xi32, #tpu.memory_space<vmem>>
          %dma_wait3A_268 = arith.constant 0 : i32
          %dma_wait3A_269 = arith.constant 0 : i32
          %dma_wait3A_270 = tpu.memref_slice %arg2[%dma_wait3A_268, %dma_wait3A_269] : memref<16384x1024xf32, #tpu.memory_space<hbm>> -> memref<16384x1024xf32, #tpu.memory_space<hbm>>
          tpu.wait_indirect_dma semaphore(%arg15 : memref<!tpu.dma_semaphore, #tpu.memory_space<semaphore_mem>>) src(%dma_wait3A_270 : memref<16384x1024xf32, #tpu.memory_space<hbm>>) dst(%arg9 : memref<32x1024xf32, #tpu.memory_space<vmem>>)
          %sub3A_271 = arith.constant 1 : i32
          %sub3A_272 = arith.subi %while3A_185, %sub3A_271 : i32
          %mul3A_273 = arith.constant 2 : i32
          %mul3A_274 = arith.muli %mul3A_273, %sub3A_272 : i32
          %add3A_275 = arith.addi %mul3A_274, %shift_right_arithmetic3A_2 : i32
          %mul3A_276 = arith.constant 32 : i32
          %mul3A_277 = arith.muli %add3A_275, %mul3A_276 : i32
          %add3A_278 = arith.addi %mul3A_29, %mul3A_277 : i32
          %dma_start3A_279 = arith.constant 0 : i32
          %dma_start3A_280 = tpu.memref_slice %arg5[%add3A_278, %dma_start3A_279] : memref<32768x1024xf32, #tpu.memory_space<hbm>> -> memref<32x1024xf32, #tpu.memory_space<hbm>>
          %dma_start3A_281 = arith.constant 0 : i32
          %dma_start3A_282 = tpu.memref_slice %arg5[%add3A_278, %dma_start3A_281] : memref<32768x1024xf32, #tpu.memory_space<hbm>> -> memref<32x1024xf32, #tpu.memory_space<hbm>>
          tpu.enqueue_dma source(%arg9 : memref<32x1024xf32, #tpu.memory_space<vmem>>) target(%dma_start3A_282 : memref<32x1024xf32, #tpu.memory_space<hbm>>) target_semaphore(%arg18 : memref<!tpu.dma_semaphore, #tpu.memory_space<semaphore_mem>>)
        } else {
        }
      } else {
      }
      %while3A_249 = arith.constant 0 : i32
      scf.yield %while3A_249 : i32
    }
    %ge3A = arith.constant 1 : i32
    %ge3A_155 = arith.cmpi sge, %select_n3A_77, %ge3A : i32
    %convert_element_type3A = arith.extui %ge3A_155 : i1 to i32
    %cond3A = arith.constant 0 : i32
    %cond3A_156 = arith.cmpi ne, %convert_element_type3A, %cond3A : i32
    scf.if %cond3A_156 {
      %sub3A_185 = arith.constant 1 : i32
      %sub3A_186 = arith.subi %select_n3A_77, %sub3A_185 : i32
      %jit3A_187 = arith.constant 3 : i32
      %eq3A_188 = arith.constant 0 : i32
      %eq3A_189 = arith.cmpi eq, %jit3A_187, %eq3A_188 : i32
      %jit3A_190 = arith.constant 1 : i32
      %select_n3A_191 = arith.select %eq3A_189, %jit3A_190, %jit3A_187 : i32
      %rem3A_192 = arith.remsi %sub3A_186, %select_n3A_191 : i32
      %ne3A_193 = arith.constant 0 : i32
      %ne3A_194 = arith.cmpi ne, %rem3A_192, %ne3A_193 : i32
      %lt3A = arith.constant 0 : i32
      %lt3A_195 = arith.cmpi slt, %rem3A_192, %lt3A : i32
      %lt3A_196 = arith.constant 0 : i32
      %lt3A_197 = arith.cmpi slt, %select_n3A_191, %lt3A_196 : i32
      %ne3A_198 = arith.xori %lt3A_195, %lt3A_197 : i1
      %and3A_199 = arith.andi %ne3A_198, %ne3A_194 : i1
      %add3A_200 = arith.addi %rem3A_192, %select_n3A_191 : i32
      %select_n3A_201 = arith.select %and3A_199, %add3A_200, %rem3A_192 : i32
      %eq3A_202 = arith.constant 0 : i32
      %eq3A_203 = arith.cmpi eq, %select_n3A_201, %eq3A_202 : i32
      %convert_element_type3A_204 = arith.extui %eq3A_203 : i1 to i32
      %cond3A_205 = arith.constant 0 : i32
      %cond3A_206 = arith.cmpi ne, %convert_element_type3A_204, %cond3A_205 : i32
      scf.if %cond3A_206 {
        %dma_wait3A = arith.constant 0 : i32
        %dma_wait3A_249 = arith.constant 0 : i32
        %dma_wait3A_250 = tpu.memref_slice %arg12[%dma_wait3A, %dma_wait3A_249] : memref<32x32xi32, #tpu.memory_space<vmem>> -> memref<1x32xi32, #tpu.memory_space<vmem>>
        %dma_wait3A_251 = tpu.memref_squeeze %dma_wait3A_250 : memref<1x32xi32, #tpu.memory_space<vmem>> -> memref<32xi32, #tpu.memory_space<vmem>>
        %dma_wait3A_252 = arith.constant 0 : i32
        %dma_wait3A_253 = arith.constant 0 : i32
        %dma_wait3A_254 = tpu.memref_slice %arg2[%dma_wait3A_252, %dma_wait3A_253] : memref<16384x1024xf32, #tpu.memory_space<hbm>> -> memref<16384x1024xf32, #tpu.memory_space<hbm>>
        tpu.wait_indirect_dma semaphore(%arg14 : memref<!tpu.dma_semaphore, #tpu.memory_space<semaphore_mem>>) src(%dma_wait3A_254 : memref<16384x1024xf32, #tpu.memory_space<hbm>>) dst(%arg8 : memref<32x1024xf32, #tpu.memory_space<vmem>>)
        %mul3A_255 = arith.constant 2 : i32
        %mul3A_256 = arith.muli %mul3A_255, %sub3A_186 : i32
        %add3A_257 = arith.addi %mul3A_256, %shift_right_arithmetic3A_2 : i32
        %mul3A_258 = arith.constant 32 : i32
        %mul3A_259 = arith.muli %add3A_257, %mul3A_258 : i32
        %add3A_260 = arith.addi %mul3A_29, %mul3A_259 : i32
        %dma_start3A = arith.constant 0 : i32
        %dma_start3A_261 = tpu.memref_slice %arg5[%add3A_260, %dma_start3A] : memref<32768x1024xf32, #tpu.memory_space<hbm>> -> memref<32x1024xf32, #tpu.memory_space<hbm>>
        %dma_start3A_262 = arith.constant 0 : i32
        %dma_start3A_263 = tpu.memref_slice %arg5[%add3A_260, %dma_start3A_262] : memref<32768x1024xf32, #tpu.memory_space<hbm>> -> memref<32x1024xf32, #tpu.memory_space<hbm>>
        tpu.enqueue_dma source(%arg8 : memref<32x1024xf32, #tpu.memory_space<vmem>>) target(%dma_start3A_263 : memref<32x1024xf32, #tpu.memory_space<hbm>>) target_semaphore(%arg17 : memref<!tpu.dma_semaphore, #tpu.memory_space<semaphore_mem>>)
        %add3A_264 = arith.addi %mul3A_29, %mul3A_4 : i32
        %dma_wait3A_265 = arith.constant 0 : i32
        %dma_wait3A_266 = tpu.memref_slice %arg5[%add3A_264, %dma_wait3A_265] : memref<32768x1024xf32, #tpu.memory_space<hbm>> -> memref<32x1024xf32, #tpu.memory_space<hbm>>
        %dma_wait3A_267 = arith.constant 0 : i32
        %dma_wait3A_268 = tpu.memref_slice %arg5[%add3A_264, %dma_wait3A_267] : memref<32768x1024xf32, #tpu.memory_space<hbm>> -> memref<32x1024xf32, #tpu.memory_space<hbm>>
        tpu.wait_dma2 semaphore(%arg17 : memref<!tpu.dma_semaphore, #tpu.memory_space<semaphore_mem>>) src(%arg8 : memref<32x1024xf32, #tpu.memory_space<vmem>>) dst(%dma_wait3A_268 : memref<32x1024xf32, #tpu.memory_space<hbm>>)
        %ge3A_269 = arith.constant 2 : i32
        %ge3A_270 = arith.cmpi sge, %select_n3A_77, %ge3A_269 : i32
        %convert_element_type3A_271 = arith.extui %ge3A_270 : i1 to i32
        %cond3A_272 = arith.constant 0 : i32
        %cond3A_273 = arith.cmpi ne, %convert_element_type3A_271, %cond3A_272 : i32
        scf.if %cond3A_273 {
          %add3A_279 = arith.addi %mul3A_29, %mul3A_4 : i32
          %dma_wait3A_280 = arith.constant 0 : i32
          %dma_wait3A_281 = tpu.memref_slice %arg5[%add3A_279, %dma_wait3A_280] : memref<32768x1024xf32, #tpu.memory_space<hbm>> -> memref<32x1024xf32, #tpu.memory_space<hbm>>
          %dma_wait3A_282 = arith.constant 0 : i32
          %dma_wait3A_283 = tpu.memref_slice %arg5[%add3A_279, %dma_wait3A_282] : memref<32768x1024xf32, #tpu.memory_space<hbm>> -> memref<32x1024xf32, #tpu.memory_space<hbm>>
          tpu.wait_dma2 semaphore(%arg19 : memref<!tpu.dma_semaphore, #tpu.memory_space<semaphore_mem>>) src(%arg10 : memref<32x1024xf32, #tpu.memory_space<vmem>>) dst(%dma_wait3A_283 : memref<32x1024xf32, #tpu.memory_space<hbm>>)
        } else {
        }
        %ge3A_274 = arith.constant 3 : i32
        %ge3A_275 = arith.cmpi sge, %select_n3A_77, %ge3A_274 : i32
        %convert_element_type3A_276 = arith.extui %ge3A_275 : i1 to i32
        %cond3A_277 = arith.constant 0 : i32
        %cond3A_278 = arith.cmpi ne, %convert_element_type3A_276, %cond3A_277 : i32
        scf.if %cond3A_278 {
          %add3A_279 = arith.addi %mul3A_29, %mul3A_4 : i32
          %dma_wait3A_280 = arith.constant 0 : i32
          %dma_wait3A_281 = tpu.memref_slice %arg5[%add3A_279, %dma_wait3A_280] : memref<32768x1024xf32, #tpu.memory_space<hbm>> -> memref<32x1024xf32, #tpu.memory_space<hbm>>
          %dma_wait3A_282 = arith.constant 0 : i32
          %dma_wait3A_283 = tpu.memref_slice %arg5[%add3A_279, %dma_wait3A_282] : memref<32768x1024xf32, #tpu.memory_space<hbm>> -> memref<32x1024xf32, #tpu.memory_space<hbm>>
          tpu.wait_dma2 semaphore(%arg18 : memref<!tpu.dma_semaphore, #tpu.memory_space<semaphore_mem>>) src(%arg9 : memref<32x1024xf32, #tpu.memory_space<vmem>>) dst(%dma_wait3A_283 : memref<32x1024xf32, #tpu.memory_space<hbm>>)
        } else {
        }
      } else {
      }
      %jit3A_207 = arith.constant 3 : i32
      %eq3A_208 = arith.constant 0 : i32
      %eq3A_209 = arith.cmpi eq, %jit3A_207, %eq3A_208 : i32
      %jit3A_210 = arith.constant 1 : i32
      %select_n3A_211 = arith.select %eq3A_209, %jit3A_210, %jit3A_207 : i32
      %rem3A_212 = arith.remsi %sub3A_186, %select_n3A_211 : i32
      %ne3A_213 = arith.constant 0 : i32
      %ne3A_214 = arith.cmpi ne, %rem3A_212, %ne3A_213 : i32
      %lt3A_215 = arith.constant 0 : i32
      %lt3A_216 = arith.cmpi slt, %rem3A_212, %lt3A_215 : i32
      %lt3A_217 = arith.constant 0 : i32
      %lt3A_218 = arith.cmpi slt, %select_n3A_211, %lt3A_217 : i32
      %ne3A_219 = arith.xori %lt3A_216, %lt3A_218 : i1
      %and3A_220 = arith.andi %ne3A_219, %ne3A_214 : i1
      %add3A_221 = arith.addi %rem3A_212, %select_n3A_211 : i32
      %select_n3A_222 = arith.select %and3A_220, %add3A_221, %rem3A_212 : i32
      %eq3A_223 = arith.constant 1 : i32
      %eq3A_224 = arith.cmpi eq, %select_n3A_222, %eq3A_223 : i32
      %convert_element_type3A_225 = arith.extui %eq3A_224 : i1 to i32
      %cond3A_226 = arith.constant 0 : i32
      %cond3A_227 = arith.cmpi ne, %convert_element_type3A_225, %cond3A_226 : i32
      scf.if %cond3A_227 {
        %dma_wait3A = arith.constant 0 : i32
        %dma_wait3A_249 = arith.constant 0 : i32
        %dma_wait3A_250 = tpu.memref_slice %arg12[%dma_wait3A, %dma_wait3A_249] : memref<32x32xi32, #tpu.memory_space<vmem>> -> memref<1x32xi32, #tpu.memory_space<vmem>>
        %dma_wait3A_251 = tpu.memref_squeeze %dma_wait3A_250 : memref<1x32xi32, #tpu.memory_space<vmem>> -> memref<32xi32, #tpu.memory_space<vmem>>
        %dma_wait3A_252 = arith.constant 0 : i32
        %dma_wait3A_253 = arith.constant 0 : i32
        %dma_wait3A_254 = tpu.memref_slice %arg2[%dma_wait3A_252, %dma_wait3A_253] : memref<16384x1024xf32, #tpu.memory_space<hbm>> -> memref<16384x1024xf32, #tpu.memory_space<hbm>>
        tpu.wait_indirect_dma semaphore(%arg15 : memref<!tpu.dma_semaphore, #tpu.memory_space<semaphore_mem>>) src(%dma_wait3A_254 : memref<16384x1024xf32, #tpu.memory_space<hbm>>) dst(%arg9 : memref<32x1024xf32, #tpu.memory_space<vmem>>)
        %mul3A_255 = arith.constant 2 : i32
        %mul3A_256 = arith.muli %mul3A_255, %sub3A_186 : i32
        %add3A_257 = arith.addi %mul3A_256, %shift_right_arithmetic3A_2 : i32
        %mul3A_258 = arith.constant 32 : i32
        %mul3A_259 = arith.muli %add3A_257, %mul3A_258 : i32
        %add3A_260 = arith.addi %mul3A_29, %mul3A_259 : i32
        %dma_start3A = arith.constant 0 : i32
        %dma_start3A_261 = tpu.memref_slice %arg5[%add3A_260, %dma_start3A] : memref<32768x1024xf32, #tpu.memory_space<hbm>> -> memref<32x1024xf32, #tpu.memory_space<hbm>>
        %dma_start3A_262 = arith.constant 0 : i32
        %dma_start3A_263 = tpu.memref_slice %arg5[%add3A_260, %dma_start3A_262] : memref<32768x1024xf32, #tpu.memory_space<hbm>> -> memref<32x1024xf32, #tpu.memory_space<hbm>>
        tpu.enqueue_dma source(%arg9 : memref<32x1024xf32, #tpu.memory_space<vmem>>) target(%dma_start3A_263 : memref<32x1024xf32, #tpu.memory_space<hbm>>) target_semaphore(%arg18 : memref<!tpu.dma_semaphore, #tpu.memory_space<semaphore_mem>>)
        %add3A_264 = arith.addi %mul3A_29, %mul3A_4 : i32
        %dma_wait3A_265 = arith.constant 0 : i32
        %dma_wait3A_266 = tpu.memref_slice %arg5[%add3A_264, %dma_wait3A_265] : memref<32768x1024xf32, #tpu.memory_space<hbm>> -> memref<32x1024xf32, #tpu.memory_space<hbm>>
        %dma_wait3A_267 = arith.constant 0 : i32
        %dma_wait3A_268 = tpu.memref_slice %arg5[%add3A_264, %dma_wait3A_267] : memref<32768x1024xf32, #tpu.memory_space<hbm>> -> memref<32x1024xf32, #tpu.memory_space<hbm>>
        tpu.wait_dma2 semaphore(%arg18 : memref<!tpu.dma_semaphore, #tpu.memory_space<semaphore_mem>>) src(%arg9 : memref<32x1024xf32, #tpu.memory_space<vmem>>) dst(%dma_wait3A_268 : memref<32x1024xf32, #tpu.memory_space<hbm>>)
        %ge3A_269 = arith.constant 2 : i32
        %ge3A_270 = arith.cmpi sge, %select_n3A_77, %ge3A_269 : i32
        %convert_element_type3A_271 = arith.extui %ge3A_270 : i1 to i32
        %cond3A_272 = arith.constant 0 : i32
        %cond3A_273 = arith.cmpi ne, %convert_element_type3A_271, %cond3A_272 : i32
        scf.if %cond3A_273 {
          %add3A_279 = arith.addi %mul3A_29, %mul3A_4 : i32
          %dma_wait3A_280 = arith.constant 0 : i32
          %dma_wait3A_281 = tpu.memref_slice %arg5[%add3A_279, %dma_wait3A_280] : memref<32768x1024xf32, #tpu.memory_space<hbm>> -> memref<32x1024xf32, #tpu.memory_space<hbm>>
          %dma_wait3A_282 = arith.constant 0 : i32
          %dma_wait3A_283 = tpu.memref_slice %arg5[%add3A_279, %dma_wait3A_282] : memref<32768x1024xf32, #tpu.memory_space<hbm>> -> memref<32x1024xf32, #tpu.memory_space<hbm>>
          tpu.wait_dma2 semaphore(%arg17 : memref<!tpu.dma_semaphore, #tpu.memory_space<semaphore_mem>>) src(%arg8 : memref<32x1024xf32, #tpu.memory_space<vmem>>) dst(%dma_wait3A_283 : memref<32x1024xf32, #tpu.memory_space<hbm>>)
        } else {
        }
        %ge3A_274 = arith.constant 3 : i32
        %ge3A_275 = arith.cmpi sge, %select_n3A_77, %ge3A_274 : i32
        %convert_element_type3A_276 = arith.extui %ge3A_275 : i1 to i32
        %cond3A_277 = arith.constant 0 : i32
        %cond3A_278 = arith.cmpi ne, %convert_element_type3A_276, %cond3A_277 : i32
        scf.if %cond3A_278 {
          %add3A_279 = arith.addi %mul3A_29, %mul3A_4 : i32
          %dma_wait3A_280 = arith.constant 0 : i32
          %dma_wait3A_281 = tpu.memref_slice %arg5[%add3A_279, %dma_wait3A_280] : memref<32768x1024xf32, #tpu.memory_space<hbm>> -> memref<32x1024xf32, #tpu.memory_space<hbm>>
          %dma_wait3A_282 = arith.constant 0 : i32
          %dma_wait3A_283 = tpu.memref_slice %arg5[%add3A_279, %dma_wait3A_282] : memref<32768x1024xf32, #tpu.memory_space<hbm>> -> memref<32x1024xf32, #tpu.memory_space<hbm>>
          tpu.wait_dma2 semaphore(%arg19 : memref<!tpu.dma_semaphore, #tpu.memory_space<semaphore_mem>>) src(%arg10 : memref<32x1024xf32, #tpu.memory_space<vmem>>) dst(%dma_wait3A_283 : memref<32x1024xf32, #tpu.memory_space<hbm>>)
        } else {
        }
      } else {
      }
      %jit3A_228 = arith.constant 3 : i32
      %eq3A_229 = arith.constant 0 : i32
      %eq3A_230 = arith.cmpi eq, %jit3A_228, %eq3A_229 : i32
      %jit3A_231 = arith.constant 1 : i32
      %select_n3A_232 = arith.select %eq3A_230, %jit3A_231, %jit3A_228 : i32
      %rem3A_233 = arith.remsi %sub3A_186, %select_n3A_232 : i32
      %ne3A_234 = arith.constant 0 : i32
      %ne3A_235 = arith.cmpi ne, %rem3A_233, %ne3A_234 : i32
      %lt3A_236 = arith.constant 0 : i32
      %lt3A_237 = arith.cmpi slt, %rem3A_233, %lt3A_236 : i32
      %lt3A_238 = arith.constant 0 : i32
      %lt3A_239 = arith.cmpi slt, %select_n3A_232, %lt3A_238 : i32
      %ne3A_240 = arith.xori %lt3A_237, %lt3A_239 : i1
      %and3A_241 = arith.andi %ne3A_240, %ne3A_235 : i1
      %add3A_242 = arith.addi %rem3A_233, %select_n3A_232 : i32
      %select_n3A_243 = arith.select %and3A_241, %add3A_242, %rem3A_233 : i32
      %eq3A_244 = arith.constant 2 : i32
      %eq3A_245 = arith.cmpi eq, %select_n3A_243, %eq3A_244 : i32
      %convert_element_type3A_246 = arith.extui %eq3A_245 : i1 to i32
      %cond3A_247 = arith.constant 0 : i32
      %cond3A_248 = arith.cmpi ne, %convert_element_type3A_246, %cond3A_247 : i32
      scf.if %cond3A_248 {
        %dma_wait3A = arith.constant 0 : i32
        %dma_wait3A_249 = arith.constant 0 : i32
        %dma_wait3A_250 = tpu.memref_slice %arg12[%dma_wait3A, %dma_wait3A_249] : memref<32x32xi32, #tpu.memory_space<vmem>> -> memref<1x32xi32, #tpu.memory_space<vmem>>
        %dma_wait3A_251 = tpu.memref_squeeze %dma_wait3A_250 : memref<1x32xi32, #tpu.memory_space<vmem>> -> memref<32xi32, #tpu.memory_space<vmem>>
        %dma_wait3A_252 = arith.constant 0 : i32
        %dma_wait3A_253 = arith.constant 0 : i32
        %dma_wait3A_254 = tpu.memref_slice %arg2[%dma_wait3A_252, %dma_wait3A_253] : memref<16384x1024xf32, #tpu.memory_space<hbm>> -> memref<16384x1024xf32, #tpu.memory_space<hbm>>
        tpu.wait_indirect_dma semaphore(%arg16 : memref<!tpu.dma_semaphore, #tpu.memory_space<semaphore_mem>>) src(%dma_wait3A_254 : memref<16384x1024xf32, #tpu.memory_space<hbm>>) dst(%arg10 : memref<32x1024xf32, #tpu.memory_space<vmem>>)
        %mul3A_255 = arith.constant 2 : i32
        %mul3A_256 = arith.muli %mul3A_255, %sub3A_186 : i32
        %add3A_257 = arith.addi %mul3A_256, %shift_right_arithmetic3A_2 : i32
        %mul3A_258 = arith.constant 32 : i32
        %mul3A_259 = arith.muli %add3A_257, %mul3A_258 : i32
        %add3A_260 = arith.addi %mul3A_29, %mul3A_259 : i32
        %dma_start3A = arith.constant 0 : i32
        %dma_start3A_261 = tpu.memref_slice %arg5[%add3A_260, %dma_start3A] : memref<32768x1024xf32, #tpu.memory_space<hbm>> -> memref<32x1024xf32, #tpu.memory_space<hbm>>
        %dma_start3A_262 = arith.constant 0 : i32
        %dma_start3A_263 = tpu.memref_slice %arg5[%add3A_260, %dma_start3A_262] : memref<32768x1024xf32, #tpu.memory_space<hbm>> -> memref<32x1024xf32, #tpu.memory_space<hbm>>
        tpu.enqueue_dma source(%arg10 : memref<32x1024xf32, #tpu.memory_space<vmem>>) target(%dma_start3A_263 : memref<32x1024xf32, #tpu.memory_space<hbm>>) target_semaphore(%arg19 : memref<!tpu.dma_semaphore, #tpu.memory_space<semaphore_mem>>)
        %add3A_264 = arith.addi %mul3A_29, %mul3A_4 : i32
        %dma_wait3A_265 = arith.constant 0 : i32
        %dma_wait3A_266 = tpu.memref_slice %arg5[%add3A_264, %dma_wait3A_265] : memref<32768x1024xf32, #tpu.memory_space<hbm>> -> memref<32x1024xf32, #tpu.memory_space<hbm>>
        %dma_wait3A_267 = arith.constant 0 : i32
        %dma_wait3A_268 = tpu.memref_slice %arg5[%add3A_264, %dma_wait3A_267] : memref<32768x1024xf32, #tpu.memory_space<hbm>> -> memref<32x1024xf32, #tpu.memory_space<hbm>>
        tpu.wait_dma2 semaphore(%arg19 : memref<!tpu.dma_semaphore, #tpu.memory_space<semaphore_mem>>) src(%arg10 : memref<32x1024xf32, #tpu.memory_space<vmem>>) dst(%dma_wait3A_268 : memref<32x1024xf32, #tpu.memory_space<hbm>>)
        %ge3A_269 = arith.constant 2 : i32
        %ge3A_270 = arith.cmpi sge, %select_n3A_77, %ge3A_269 : i32
        %convert_element_type3A_271 = arith.extui %ge3A_270 : i1 to i32
        %cond3A_272 = arith.constant 0 : i32
        %cond3A_273 = arith.cmpi ne, %convert_element_type3A_271, %cond3A_272 : i32
        scf.if %cond3A_273 {
          %add3A_279 = arith.addi %mul3A_29, %mul3A_4 : i32
          %dma_wait3A_280 = arith.constant 0 : i32
          %dma_wait3A_281 = tpu.memref_slice %arg5[%add3A_279, %dma_wait3A_280] : memref<32768x1024xf32, #tpu.memory_space<hbm>> -> memref<32x1024xf32, #tpu.memory_space<hbm>>
          %dma_wait3A_282 = arith.constant 0 : i32
          %dma_wait3A_283 = tpu.memref_slice %arg5[%add3A_279, %dma_wait3A_282] : memref<32768x1024xf32, #tpu.memory_space<hbm>> -> memref<32x1024xf32, #tpu.memory_space<hbm>>
          tpu.wait_dma2 semaphore(%arg18 : memref<!tpu.dma_semaphore, #tpu.memory_space<semaphore_mem>>) src(%arg9 : memref<32x1024xf32, #tpu.memory_space<vmem>>) dst(%dma_wait3A_283 : memref<32x1024xf32, #tpu.memory_space<hbm>>)
        } else {
        }
        %ge3A_274 = arith.constant 3 : i32
        %ge3A_275 = arith.cmpi sge, %select_n3A_77, %ge3A_274 : i32
        %convert_element_type3A_276 = arith.extui %ge3A_275 : i1 to i32
        %cond3A_277 = arith.constant 0 : i32
        %cond3A_278 = arith.cmpi ne, %convert_element_type3A_276, %cond3A_277 : i32
        scf.if %cond3A_278 {
          %add3A_279 = arith.addi %mul3A_29, %mul3A_4 : i32
          %dma_wait3A_280 = arith.constant 0 : i32
          %dma_wait3A_281 = tpu.memref_slice %arg5[%add3A_279, %dma_wait3A_280] : memref<32768x1024xf32, #tpu.memory_space<hbm>> -> memref<32x1024xf32, #tpu.memory_space<hbm>>
          %dma_wait3A_282 = arith.constant 0 : i32
          %dma_wait3A_283 = tpu.memref_slice %arg5[%add3A_279, %dma_wait3A_282] : memref<32768x1024xf32, #tpu.memory_space<hbm>> -> memref<32x1024xf32, #tpu.memory_space<hbm>>
          tpu.wait_dma2 semaphore(%arg17 : memref<!tpu.dma_semaphore, #tpu.memory_space<semaphore_mem>>) src(%arg8 : memref<32x1024xf32, #tpu.memory_space<vmem>>) dst(%dma_wait3A_283 : memref<32x1024xf32, #tpu.memory_space<hbm>>)
        } else {
        }
      } else {
      }
    } else {
    }
    %gt3A_157 = arith.constant 0 : i32
    %gt3A_158 = arith.cmpi sgt, %select_n3A_84, %gt3A_157 : i32
    %convert_element_type3A_159 = arith.extui %gt3A_158 : i1 to i32
    %cond3A_160 = arith.constant 0 : i32
    %cond3A_161 = arith.cmpi ne, %convert_element_type3A_159, %cond3A_160 : i32
    scf.if %cond3A_161 {
      %dma_start3A = arith.constant 0 : i32
      %dma_start3A_185 = tpu.memref_slice %arg12[%select_n3A_109, %dma_start3A] : memref<32x32xi32, #tpu.memory_space<vmem>> -> memref<1x32xi32, #tpu.memory_space<vmem>>
      %dma_start3A_186 = tpu.memref_squeeze %dma_start3A_185 : memref<1x32xi32, #tpu.memory_space<vmem>> -> memref<32xi32, #tpu.memory_space<vmem>>
      %dma_start3A_187 = arith.constant 0 : i32
      %dma_start3A_188 = arith.constant 0 : i32
      %dma_start3A_189 = tpu.memref_slice %arg2[%dma_start3A_187, %dma_start3A_188] : memref<16384x1024xf32, #tpu.memory_space<hbm>> -> memref<16384x1024xf32, #tpu.memory_space<hbm>>
      tpu.enqueue_indirect_dma source(%dma_start3A_189 : memref<16384x1024xf32, #tpu.memory_space<hbm>>) target(%arg8 : memref<32x1024xf32, #tpu.memory_space<vmem>>) offsets(%dma_start3A_186 : memref<32xi32, #tpu.memory_space<vmem>>) semaphore(%arg14 : memref<!tpu.dma_semaphore, #tpu.memory_space<semaphore_mem>>)
      %dma_wait3A = arith.constant 0 : i32
      %dma_wait3A_190 = tpu.memref_slice %arg12[%select_n3A_109, %dma_wait3A] : memref<32x32xi32, #tpu.memory_space<vmem>> -> memref<1x32xi32, #tpu.memory_space<vmem>>
      %dma_wait3A_191 = tpu.memref_squeeze %dma_wait3A_190 : memref<1x32xi32, #tpu.memory_space<vmem>> -> memref<32xi32, #tpu.memory_space<vmem>>
      %dma_wait3A_192 = arith.constant 0 : i32
      %dma_wait3A_193 = arith.constant 0 : i32
      %dma_wait3A_194 = tpu.memref_slice %arg2[%dma_wait3A_192, %dma_wait3A_193] : memref<16384x1024xf32, #tpu.memory_space<hbm>> -> memref<16384x1024xf32, #tpu.memory_space<hbm>>
      tpu.wait_indirect_dma semaphore(%arg14 : memref<!tpu.dma_semaphore, #tpu.memory_space<semaphore_mem>>) src(%dma_wait3A_194 : memref<16384x1024xf32, #tpu.memory_space<hbm>>) dst(%arg8 : memref<32x1024xf32, #tpu.memory_space<vmem>>)
      %while3A_195 = arith.constant 32 : i32
      %while3A_196 = arith.constant 0 : i32
      %while3A_197 = arith.subi %while3A_195, %sub3A_50 : i32
      %while3A_198 = arith.addi %sub3A_50, %while3A_197 : i32
      %while3A_199 = arith.constant 1 : i32
      %while3A_200 = arith.divsi %while3A_197, %while3A_199 : i32
      %while3A_201 = arith.muli %while3A_200, %while3A_199 : i32
      %while3A_202 = arith.addi %sub3A_50, %while3A_201 : i32
      %while3A_203 = arith.constant 1 : i32
      %while3A_204 = scf.for %while3A_213 = %sub3A_50 to %while3A_202 step %while3A_203 iter_args(%while3A_214 = %while3A_196) -> (i32)  : i32 {
        %scan3A_215 = arith.constant 0 : i32
        %scan3A_216 = arith.constant 0 : i32
        %scan3A_217 = arith.constant 64 : i32
        %scan3A_218 = arith.addi %scan3A_216, %scan3A_217 : i32
        %scan3A_219 = arith.constant 1 : i32
        %scan3A_220 = scf.for %scan3A_223 = %scan3A_216 to %scan3A_218 step %scan3A_219 iter_args(%scan3A_224 = %scan3A_215) -> (i32)  : i32 {
          %broadcast_in_dim3A_225 = arith.constant 0.000000e+00 : f32
          %broadcast_in_dim3A_226 = vector.broadcast %broadcast_in_dim3A_225 : f32 to vector<16xf32>
          %mul3A_227 = arith.constant 16 : i32
          %mul3A_228 = arith.muli %scan3A_223, %mul3A_227 : i32
          %swap3A = arith.index_cast %while3A_213 : i32 to index
          %swap3A_229 = arith.index_cast %mul3A_228 : i32 to index
          %swap3A_230 = tpu.vector_load %arg8[%swap3A, %swap3A_229] {strides = array<i32>} : memref<32x1024xf32, #tpu.memory_space<vmem>>, vector<16xf32>,
          tpu.vector_store %arg8[%swap3A, %swap3A_229], %broadcast_in_dim3A_226 {strides = array<i32>} : memref<32x1024xf32, #tpu.memory_space<vmem>>, vector<16xf32>,
          %scan3A_231 = arith.constant 0 : i32
          scf.yield %scan3A_231 : i32
        }
        %scan3A_221 = arith.constant 64 : i32
        %while3A_222 = arith.constant 0 : i32
        scf.yield %while3A_222 : i32
      }
      %while3A_205 = arith.constant 1 : i32
      %while3A_206 = scf.for %while3A_213 = %while3A_202 to %while3A_198 step %while3A_205 iter_args(%while3A_214 = %while3A_204) -> (i32)  : i32 {
        %scan3A_215 = arith.constant 0 : i32
        %scan3A_216 = arith.constant 0 : i32
        %scan3A_217 = arith.constant 64 : i32
        %scan3A_218 = arith.addi %scan3A_216, %scan3A_217 : i32
        %scan3A_219 = arith.constant 1 : i32
        %scan3A_220 = scf.for %scan3A_223 = %scan3A_216 to %scan3A_218 step %scan3A_219 iter_args(%scan3A_224 = %scan3A_215) -> (i32)  : i32 {
          %broadcast_in_dim3A_225 = arith.constant 0.000000e+00 : f32
          %broadcast_in_dim3A_226 = vector.broadcast %broadcast_in_dim3A_225 : f32 to vector<16xf32>
          %mul3A_227 = arith.constant 16 : i32
          %mul3A_228 = arith.muli %scan3A_223, %mul3A_227 : i32
          %swap3A = arith.index_cast %while3A_213 : i32 to index
          %swap3A_229 = arith.index_cast %mul3A_228 : i32 to index
          %swap3A_230 = tpu.vector_load %arg8[%swap3A, %swap3A_229] {strides = array<i32>} : memref<32x1024xf32, #tpu.memory_space<vmem>>, vector<16xf32>,
          tpu.vector_store %arg8[%swap3A, %swap3A_229], %broadcast_in_dim3A_226 {strides = array<i32>} : memref<32x1024xf32, #tpu.memory_space<vmem>>, vector<16xf32>,
          %scan3A_231 = arith.constant 0 : i32
          scf.yield %scan3A_231 : i32
        }
        %scan3A_221 = arith.constant 64 : i32
        %while3A_222 = arith.constant 0 : i32
        scf.yield %while3A_222 : i32
      }
      %mul3A_207 = arith.constant 2 : i32
      %mul3A_208 = arith.muli %mul3A_207, %select_n3A_109 : i32
      %add3A_209 = arith.addi %mul3A_208, %shift_right_arithmetic3A_2 : i32
      %mul3A_210 = arith.constant 32 : i32
      %mul3A_211 = arith.muli %add3A_209, %mul3A_210 : i32
      %add3A_212 = arith.addi %mul3A_29, %mul3A_211 : i32
      "tpu.region"() ({
        %run_scoped3A = tpu.sem_alloc : memref<!tpu.dma_semaphore, #tpu.memory_space<semaphore_mem>>
        %dma_start3A_213 = arith.constant 0 : i32
        %dma_start3A_214 = tpu.memref_slice %arg5[%add3A_212, %dma_start3A_213] : memref<32768x1024xf32, #tpu.memory_space<hbm>> -> memref<32x1024xf32, #tpu.memory_space<hbm>>
        %dma_start3A_215 = arith.constant 0 : i32
        %dma_start3A_216 = tpu.memref_slice %arg5[%add3A_212, %dma_start3A_215] : memref<32768x1024xf32, #tpu.memory_space<hbm>> -> memref<32x1024xf32, #tpu.memory_space<hbm>>
        tpu.enqueue_dma source(%arg8 : memref<32x1024xf32, #tpu.memory_space<vmem>>) target(%dma_start3A_216 : memref<32x1024xf32, #tpu.memory_space<hbm>>) target_semaphore(%run_scoped3A : memref<!tpu.dma_semaphore, #tpu.memory_space<semaphore_mem>>)
        %dma_wait3A_217 = arith.constant 0 : i32
        %dma_wait3A_218 = tpu.memref_slice %arg5[%add3A_212, %dma_wait3A_217] : memref<32768x1024xf32, #tpu.memory_space<hbm>> -> memref<32x1024xf32, #tpu.memory_space<hbm>>
        %dma_wait3A_219 = arith.constant 0 : i32
        %dma_wait3A_220 = tpu.memref_slice %arg5[%add3A_212, %dma_wait3A_219] : memref<32768x1024xf32, #tpu.memory_space<hbm>> -> memref<32x1024xf32, #tpu.memory_space<hbm>>
        tpu.wait_dma2 semaphore(%run_scoped3A : memref<!tpu.dma_semaphore, #tpu.memory_space<semaphore_mem>>) src(%arg8 : memref<32x1024xf32, #tpu.memory_space<vmem>>) dst(%dma_wait3A_220 : memref<32x1024xf32, #tpu.memory_space<hbm>>)
        tpu.yield
      }) : () -> ()
    } else {
    }
    %broadcast_in_dim3A_162 = vector.broadcast %sub3A : i32 to vector<16xi32>
    %scan3A_163 = arith.constant 0 : i32
    %scan3A_164 = arith.constant 0 : i32
    %scan3A_165 = arith.constant 64 : i32
    %scan3A_166 = arith.addi %scan3A_164, %scan3A_165 : i32
    %scan3A_167 = arith.constant 1 : i32
    %scan3A_168 = scf.for %scan3A_185 = %scan3A_164 to %scan3A_166 step %scan3A_167 iter_args(%scan3A_186 = %scan3A_163) -> (i32)  : i32 {
      %mul3A_187 = arith.constant 16 : i32
      %mul3A_188 = arith.muli %scan3A_185, %mul3A_187 : i32
      %add3A_189 = arith.addi %mul3A_4, %mul3A_188 : i32
      %broadcast_in_dim3A_190 = vector.broadcast %add3A_189 : i32 to vector<16xi32>
      %add3A_191 = arith.addi %broadcast_in_dim3A_190, %iota3A : vector<16xi32>
      %lt3A = arith.cmpi slt, %add3A_191, %broadcast_in_dim3A_162 : vector<16xi32>
      %select_n3A_192 = arith.select %lt3A, %broadcast_in_dim3A_7, %broadcast_in_dim3A_5 : vector<16xi1>, vector<16xi32>
      %mul3A_193 = arith.constant 16 : i32
      %mul3A_194 = arith.muli %scan3A_185, %mul3A_193 : i32
      %swap3A = arith.index_cast %mul3A_194 : i32 to index
      %swap3A_195 = tpu.vector_load %arg13[%swap3A] {strides = array<i32>} : memref<1024xi32, #tpu.memory_space<vmem>>, vector<16xi32>,
      tpu.vector_store %arg13[%swap3A], %select_n3A_192 {strides = array<i32>} : memref<1024xi32, #tpu.memory_space<vmem>>, vector<16xi32>,
      %scan3A_196 = arith.constant 0 : i32
      scf.yield %scan3A_196 : i32
    }
    %scan3A_169 = arith.constant 64 : i32
    %add3A_170 = arith.addi %mul3A_29, %mul3A_4 : i32
    "tpu.region"() ({
      %run_scoped3A = tpu.sem_alloc : memref<!tpu.dma_semaphore, #tpu.memory_space<semaphore_mem>>
      %dma_start3A = tpu.memref_slice %arg6[%add3A_170] : memref<32768xi32, #tpu.memory_space<hbm>> -> memref<1024xi32, #tpu.memory_space<hbm>>
      %dma_start3A_185 = tpu.memref_slice %arg6[%add3A_170] : memref<32768xi32, #tpu.memory_space<hbm>> -> memref<1024xi32, #tpu.memory_space<hbm>>
      tpu.enqueue_dma source(%arg13 : memref<1024xi32, #tpu.memory_space<vmem>>) target(%dma_start3A_185 : memref<1024xi32, #tpu.memory_space<hbm>>) target_semaphore(%run_scoped3A : memref<!tpu.dma_semaphore, #tpu.memory_space<semaphore_mem>>)
      %dma_wait3A = tpu.memref_slice %arg6[%add3A_170] : memref<32768xi32, #tpu.memory_space<hbm>> -> memref<1024xi32, #tpu.memory_space<hbm>>
      %dma_wait3A_186 = tpu.memref_slice %arg6[%add3A_170] : memref<32768xi32, #tpu.memory_space<hbm>> -> memref<1024xi32, #tpu.memory_space<hbm>>
      tpu.wait_dma2 semaphore(%run_scoped3A : memref<!tpu.dma_semaphore, #tpu.memory_space<semaphore_mem>>) src(%arg13 : memref<1024xi32, #tpu.memory_space<vmem>>) dst(%dma_wait3A_186 : memref<1024xi32, #tpu.memory_space<hbm>>)
      tpu.yield
    }) : () -> ()
    %mul3A_171 = arith.constant 2 : i32
    %mul3A_172 = arith.muli %add3A_110, %mul3A_171 : i32
    %while3A_173 = arith.constant 64 : i32
    %while3A_174 = arith.constant 0 : i32
    %while3A_175 = arith.subi %while3A_173, %mul3A_172 : i32
    %while3A_176 = arith.addi %mul3A_172, %while3A_175 : i32
    %while3A_177 = arith.constant 1 : i32
    %while3A_178 = arith.divsi %while3A_175, %while3A_177 : i32
    %while3A_179 = arith.muli %while3A_178, %while3A_177 : i32
    %while3A_180 = arith.addi %mul3A_172, %while3A_179 : i32
    %while3A_181 = arith.constant 1 : i32
    %while3A_182 = scf.for %while3A_185 = %mul3A_172 to %while3A_180 step %while3A_181 iter_args(%while3A_186 = %while3A_174) -> (i32)  : i32 {
      %add3A_187 = arith.addi %mul3A_29, %mul3A_4 : i32
      %dma_wait3A = arith.constant 0 : i32
      %dma_wait3A_188 = tpu.memref_slice %arg5[%add3A_187, %dma_wait3A] : memref<32768x1024xf32, #tpu.memory_space<hbm>> -> memref<16x1024xf32, #tpu.memory_space<hbm>>
      %dma_wait3A_189 = arith.constant 0 : i32
      %dma_wait3A_190 = tpu.memref_slice %arg5[%add3A_187, %dma_wait3A_189] : memref<32768x1024xf32, #tpu.memory_space<hbm>> -> memref<16x1024xf32, #tpu.memory_space<hbm>>
      tpu.wait_dma2 semaphore(%arg20 : memref<!tpu.dma_semaphore, #tpu.memory_space<semaphore_mem>>) src(%arg11 : memref<16x1024xf32, #tpu.memory_space<vmem>>) dst(%dma_wait3A_190 : memref<16x1024xf32, #tpu.memory_space<hbm>>)
      %while3A_191 = arith.constant 0 : i32
      scf.yield %while3A_191 : i32
    }
    %while3A_183 = arith.constant 1 : i32
    %while3A_184 = scf.for %while3A_185 = %while3A_180 to %while3A_176 step %while3A_183 iter_args(%while3A_186 = %while3A_182) -> (i32)  : i32 {
      %add3A_187 = arith.addi %mul3A_29, %mul3A_4 : i32
      %dma_wait3A = arith.constant 0 : i32
      %dma_wait3A_188 = tpu.memref_slice %arg5[%add3A_187, %dma_wait3A] : memref<32768x1024xf32, #tpu.memory_space<hbm>> -> memref<16x1024xf32, #tpu.memory_space<hbm>>
      %dma_wait3A_189 = arith.constant 0 : i32
      %dma_wait3A_190 = tpu.memref_slice %arg5[%add3A_187, %dma_wait3A_189] : memref<32768x1024xf32, #tpu.memory_space<hbm>> -> memref<16x1024xf32, #tpu.memory_space<hbm>>
      tpu.wait_dma2 semaphore(%arg20 : memref<!tpu.dma_semaphore, #tpu.memory_space<semaphore_mem>>) src(%arg11 : memref<16x1024xf32, #tpu.memory_space<vmem>>) dst(%dma_wait3A_190 : memref<16x1024xf32, #tpu.memory_space<hbm>>)
      %while3A_191 = arith.constant 0 : i32
      scf.yield %while3A_191 : i32
    }
    return
  }
}

</mosaic_0001>

<sc_bundles>
// kernel: kernel.3.cloned.1.call-start
scs
__scs_entry_jumppad:
0x0: {  	(pc) =	sbr.rel $0x88, $3  }
0x1: {  	(tag) =	ssettag $0x0;
	lr =	simm.s32 $0x1  }
0x2: {  	[smem:$0x3F9F] =	sst lr;
	_ =	strace $0xD0000000  }
0x3: {  	_ = 	snop  }
0x4: {  	_ = 	snop  }
0x5: {  	_ = 	snop  }
0x6: {  	_ = 	snop  }
0x7: {  	_ = 	snop  }
__scs_overlays_trampoline_lowered:
0x8: {  	[smem:$0x3FAE] =	sst s0  }
0x9: {  	[smem:$0x3FAF] =	sst s1  }
0xa: {  	[smem:$0x3FB0] =	sst s2  }
0xb: {  	[smem:$0x3FB1] =	sst s3  }
0xc: {  	[smem:$0x3FB2] =	sst s4  }
0xd: {  	[smem:$0x3FB3] =	sst s5  }
0xe: {  	[smem:$0x3FB4] =	sst s6  }
0xf: {  	[smem:$0x3FB5] =	sst s7  }
0x10: {  	[smem:$0x3FB6] =	sst s8  }
0x11: {  	[smem:$0x3FB7] =	sst s9;
	s0 =	simm.s32 @!p0 $0x0  }
0x12: {  	s1 =	sld [smem:$0x3F9D];
	s0 =	simm.s32 @p0 $0x1  }
0x13: {  	[smem:$0x3FB8] =	sst s0;
	s0 =	simm.s32 @!p1 $0x0  }
0x14: {  	s2 =	sld [smem:$0x3F9C];
	s0 =	simm.s32 @p1 $0x1  }
0x15: {  	[smem:$0x3FB9] =	sst s0;
	s0 =	simm.s32 @!p2 $0x0  }
0x16: {  	s3 =	sld [smem:$0x3FDB];
	s0 =	simm.s32 @p2 $0x1  }
0x17: {  	s4 =	simm.s32 $0x1BF5;
	[smem:$0x3FBB] =	sst s0  }
0x18: {  	s0 =	sld [smem:$0x3F9E];
	_ =	swait.ge [sflag:s4], $0x0  }
0x19: {  	s7 =	sld [smem:$0x3F9F]  }
0x1a: {  	s8 =	sadd.s32 $0xFFFFE003, lr  }
0x1b: {  	s9 =	sadd.s32 $0xFFFFFEF7, lr;
	s5 =	simm.s32 $0xFFFFFFFF;
	p2 =	slt.u32 s8, $0xFFFFF086  }
0x1c: {  	p1 =	slt.u32 s9, $0xF7A;
	s5 =	simm.s32 @!p2 $0x0  }
0x1d: {  	s5 =	simm.s32 @p1 $0x1;
	p0 =	seq.s32 s7, s2  }
0x1e: {  	s7 =	smul.u32 @!p0 $0xF7A, s2;
	p2 =	seq.s32 @!p0 s5, $0x0  }
0x1f: {  	s9 =	smul.u32 $0xF7A, s1;
	s8 =	simm.s32 @!p0 $0x1BF5;
	p2 =	por !p2, p0  }
0x20: {  	[sflag:s8] =	ssyncset.s32 @!p0 $0xFFFFF086;
	s6 =	sadd.s32 @!p0 s3, s7;
	s7 =	simm.s32 @!p0 $0x108  }
0x21: {  	s3 =	sadd.s32 s3, s9;
	s6 =	sadd.s32 @!p0 $0x88, s6;
	s7 =	simm.s32 @p2 $0x1082  }
0x22: {  	[simem:s7], [sflag:s8] =	dma.local @!p0 [hbm:s6], $0xF7A  }
0x23: {  	s9 =	sor.u32 $0xD0000000, s2;
	s6 =	simm.s32 $0x108;
	_ =	swait.ge @!p0 [sflag:s8], $0x0  }
0x24: {  	s3 =	sadd.s32 $0x88, s3;
	s6 =	simm.s32 @!p1 $0x1082;
	[sflag:s4] =	ssyncset.s32 $0xFFFFF086  }
0x25: {  	[simem:s6], [sflag:s4] =	dma.local [hbm:s3], $0xF7A  }
0x26: {  	[smem:$0x3F9F] =	sst s1;
	(tag) =	ssettag s2;
	_ =	strace s9  }
0x27: {  	s1 =	sld [smem:$0x3FAF]  }
0x28: {  	s2 =	sld [smem:$0x3FB0]  }
0x29: {  	s4 =	sld [smem:$0x3FB2]  }
0x2a: {  	p0 =	seq.s32 s5, $0x0;
	s5 =	sld [smem:$0x3FB3]  }
0x2b: {  	s6 =	sld [smem:$0x3FB4]  }
0x2c: {  	s7 =	sld [smem:$0x3FB5]  }
0x2d: {  	s3 =	simm.s32 $0x108;
	s8 =	sld [smem:$0x3FB6]  }
0x2e: {  	s3 =	simm.s32 @!p0 $0x1082;
	s9 =	sld [smem:$0x3FB7]  }
0x2f: {  	lr =	sadd.s32 s0, s3;
	s0 =	sld [smem:$0x3FAE]  }
0x30: {  	s3 =	sld [smem:$0x3FB1]  }
0x31: {  	[smem:$0x3FBA] =	sst s10  }
0x32: {  	s10 =	sld [smem:$0x3FB8];
	_ =	sdelay $0x3  }
0x33: {  	p0 =	seq.s32 s10, $0x1;
	s10 =	sld [smem:$0x3FBA];
	_ =	sdelay $0x3  }
0x34: {  	[smem:$0x3FBA] =	sst s10  }
0x35: {  	s10 =	sld [smem:$0x3FB9];
	_ =	sdelay $0x3  }
0x36: {  	p1 =	seq.s32 s10, $0x1;
	s10 =	sld [smem:$0x3FBA];
	_ =	sdelay $0x3  }
0x37: {  	[smem:$0x3FBA] =	sst s10  }
0x38: {  	s10 =	sld [smem:$0x3FBB]  }
0x39: {  	_ = 	snop;
	(pc) =	sbr.ind lr, $3  }
0x3a: {  	_ = 	snop  }
0x3b: {  	_ = 	snop  }
0x3c: {  	p2 =	seq.s32 s10, $0x1;
	s10 =	sld [smem:$0x3FBA]  }
0x3d: {  	_ =	shalt  }
0x3e: {  	_ =	shalt  }
0x3f: {  	_ =	shalt  }
0x40: {  	_ =	shalt  }
0x41: {  	_ =	shalt  }
0x42: {  	_ =	shalt  }
0x43: {  	_ =	shalt  }
0x44: {  	_ =	shalt  }
0x45: {  	_ =	shalt  }
0x46: {  	_ =	shalt  }
0x47: {  	_ =	shalt  }
0x48: {  	_ =	shalt  }
0x49: {  	_ =	shalt  }
0x4a: {  	_ =	shalt  }
0x4b: {  	_ =	shalt  }
0x4c: {  	_ =	shalt  }
0x4d: {  	_ =	shalt  }
0x4e: {  	_ =	shalt  }
0x4f: {  	_ =	shalt  }
0x50: {  	_ =	shalt  }
0x51: {  	_ =	shalt  }
0x52: {  	_ =	shalt  }
0x53: {  	_ =	shalt  }
0x54: {  	_ =	shalt  }
0x55: {  	_ =	shalt  }
0x56: {  	_ =	shalt  }
0x57: {  	_ =	shalt  }
0x58: {  	_ =	shalt  }
0x59: {  	_ =	shalt  }
0x5a: {  	_ =	shalt  }
0x5b: {  	_ =	shalt  }
0x5c: {  	_ =	shalt  }
0x5d: {  	_ =	shalt  }
0x5e: {  	_ =	shalt  }
0x5f: {  	_ =	shalt  }
0x60: {  	_ =	shalt  }
0x61: {  	_ =	shalt  }
0x62: {  	_ =	shalt  }
0x63: {  	_ =	shalt  }
0x64: {  	_ =	shalt  }
0x65: {  	_ =	shalt  }
0x66: {  	_ =	shalt  }
0x67: {  	_ =	shalt  }
0x68: {  	_ =	shalt  }
0x69: {  	_ =	shalt  }
0x6a: {  	_ =	shalt  }
0x6b: {  	_ =	shalt  }
0x6c: {  	_ =	shalt  }
0x6d: {  	_ =	shalt  }
0x6e: {  	_ =	shalt  }
0x6f: {  	_ =	shalt  }
0x70: {  	_ =	shalt  }
0x71: {  	_ =	shalt  }
0x72: {  	_ =	shalt  }
0x73: {  	_ =	shalt  }
0x74: {  	_ =	shalt  }
0x75: {  	_ =	shalt  }
0x76: {  	_ =	shalt  }
0x77: {  	_ =	shalt  }
0x78: {  	_ =	shalt  }
0x79: {  	_ =	shalt  }
0x7a: {  	_ =	shalt  }
0x7b: {  	_ =	shalt  }
0x7c: {  	_ =	shalt  }
0x7d: {  	_ =	shalt  }
0x7e: {  	_ =	shalt  }
0x7f: {  	_ =	shalt  }
0x80: {  	_ =	shalt  }
0x81: {  	_ =	shalt  }
0x82: {  	_ =	shalt  }
0x83: {  	_ =	shalt  }
0x84: {  	_ =	shalt  }
0x85: {  	_ =	shalt  }
0x86: {  	_ =	shalt  }
0x87: {  	_ =	shalt  }
.Lfunc_end0:
.L_simem_size_0:
called_computation_lowered:
.L_overlay_start_0:
0x88: {  	s2 =	sld [smem:$0x3FD9]  }
0x89: {  	s3 =	sld [smem:$0x3FFE];
	_ =	sdelay $0x1  }
0x8a: {  	s1 =	srdreg.scid  }
0x8b: {  	s0 =	sand.u32 $0x1, s1  }
0x8c: {  	s14 =	sshll.u32 s0, $0xA;
	s2 =	sadd.s32 s3, s2  }
0x8d: {  	s2 =	sadd.s32 s2, s14  }
0x8e: {  	[smem:$0x3FC6] =	sst s2  }
0x8f: {  	_ = 	snop  }
0x90: {  	s2 =	sld [smem:$0x3FD0];
	_ =	sdelay $0x1  }
0x91: {  	s15 =	sld [smem:$0x3FC9]  }
0x92: {  	s5 =	simm.s32 $0xA;
	s6 =	simm.s32 $0x10;
	s4 =	sld [smem:$0x3FC8]  }
0x93: {  	[smem:s6], [sflag:s5] =	dma.local [hbm:s2], $0x1  }
0x94: {  	_ =	swait.eq [sflag:s5], $0x1  }
0x95: {  	[sflag:s5] =	ssyncset.done $0x0  }
0x96: {  	[sflag:s5] =	ssyncadd.s32 $0xFFFFFFFF  }
0x97: {  	s16 =	sld [smem:$0x10];
	(tm) =	ssettm $0x1  }
0x98: {  	s17 =	sld [smem:$0x3FFB];
	_ =	sdelay $0x3  }
0x99: {  	_ =	strace s17  }
0x9a: {  	s5 =	sld [smem:$0x3FFC];
	_ =	sdelay $0x3  }
0x9b: {  	_ =	strace s5  }
0x9c: {  	s5 =	sld [smem:$0x3FFD];
	_ =	sdelay $0x3  }
0x9d: {  	_ =	strace s5  }
0x9e: {  	_ =	strace $0x8FFFFFFF  }
0x9f: {  	s18 =	sld [smem:$0x3FDB];
	_ =	sdelay $0x1  }
0xa0: {  	s19 =	simm.s32 $_scs_section_size  }
0xa1: {  	s7 =	simm.s32 $_size__tile_overlayer_lowered;
	s8 =	simm.s32 $_tile_overlayer_lowered  }
0xa2: {  	s22 =	simm.s32 $0x1BFF;
	s21 =	sshll.u32 s8, $0x1;
	s5 =	sadd.s32 s19, s18  }
0xa3: {  	s9 =	simm.s32 $0x0;
	s20 =	sshll.u32 s7, $0x1;
	s7 =	sadd.s32 s21, s5  }
0xa4: {  	[timem:s9], [sflag:s22] =	dma.local [hbm:s7], s20  }
0xa5: {  	_ =	swait.ge [sflag:s22], s20  }
0xa6: {  	s6 =	ssub.s32 $0x0, s20;
	[sflag:s22] =	ssyncset.done $0x0  }
0xa7: {  	[sflag:s22] =	ssyncadd.s32 s6;
	_ =	sdelay $0x1  }
0xa8: {  	s23 =	simm.s32 $0x1B8B  }
0xa9: {  	_ =	swait.ge [sflag:s23], $0x1  }
0xaa: {  	[sflag:s23] =	ssyncset.done $0x0  }
0xab: {  	s25 =	simm.s32 $0x1B8E;
	s24 =	sld [smem:$0x3FFE];
	[sflag:s23] =	ssyncadd.s32 $0xFFFFFFFF  }
0xac: {  	s26 =	simm.s32 $execute0_lowered;
	[smem:$0x3FD2] =	sst s25  }
0xad: {  	s7 =	sshll.u32 s26, $0x1;
	_ =	strace $0x80000046;
	[dreg:$0x1] =	wrdreg $0xFFFFFFFF  }
0xae: {  	s28 =	simm.s32 $_size_execute0_lowered;
	s5 =	sadd.s32 s5, s7;
	[dreg:$0x0] =	wrdreg $0x0  }
0xaf: {  	s7 =	sshll.u32 s28, $0x1;
	[dreg:$0x2] =	wrdreg s5  }
0xb0: {  	[dreg:$0x3] =	wrdreg s7  }
0xb1: {  	[dreg:$0x4] =	wrdreg $0xC0  }
0xb2: {  	_ =	task [dreg:s9], $0x5FFFF  }
0xb3: {  	[dreg:$0x1] =	wrdreg $0xFFFFFFFF  }
0xb4: {  	[dreg:$0x0] =	wrdreg $0x60  }
0xb5: {  	[dreg:$0x2] =	wrdreg s15  }
0xb6: {  	[dreg:$0x3] =	wrdreg s4  }
0xb7: {  	[dreg:$0x4] =	wrdreg s24  }
0xb8: {  	[dreg:$0x5] =	wrdreg s16  }
0xb9: {  	[dreg:$0x6] =	wrdreg $0x9  }
0xba: {  	_ =	task.clear_ibuf [dreg:s9], $0x7FFFF;
	_ =	strace $0x90000046  }
0xbb: {  	s29 =	simm.s32 $0x9;
	_ =	strace $0x80000048  }
0xbc: {  	_ =	swait.ge [sflag:s29], $0x1  }
0xbd: {  	[sflag:s29] =	ssyncadd.s32 $0xFFFFFFFF  }
0xbe: {  	_ =	strace $0x90000048  }
0xbf: {  	_ =	sfence  }
0xc0: {  	s30 =	sld [smem:$0x0];
	_ =	sdelay $0x2  }
0xc1: {  	s31 =	sshll.u32 s1, $0xD;
	s1 =	sshrl.u32 s1, $0x2  }
0xc2: {  	s3 =	sand.u32 $0x4000, s31;
	s1 =	sadd.s32 s1, s30  }
0xc3: {  	s0 =	sor.u32 s3, s0;
	s1 =	sshll.u32 s1, $0x11  }
0xc4: {  	s0 =	sor.u32 s1, s0  }
0xc5: {  	s0 =	sadd.s32 $0x8F2B, s0  }
0xc6: {  	[sflag:s0] =	ssyncadd.remote.s32 $0x1  }
0xc7: {  	_ =	sfence.sel $0xFFFF  }
0xc8: {  	[dreg:$0x0] =	wrdreg $0xFFFFFFFF;
	(pc) =	sbr.abs _section_cstart, $3  }
0xc9: {  	[dreg:$0x1] =	wrdreg $0xFFFFFFFF  }
0xca: {  	_ =	task.clear_ibuf [dreg:s9], $0x2FFFF;
	_ =	strace $0x9FFFFFFF  }
0xcb: {  	(tm) =	ssettm $0x7FFFFFFF  }
tec
execute0_lowered:
.L_overlay_start_1:
0x0: {  	(tag) =	ssettag $0x1  }
0x1: {  	s1 =	rddreg [dreg:$0x0]  }
0x2: {  	s10 =	rddreg [dreg:$0x1]  }
0x3: {  	s2 =	rddreg [dreg:$0x2];
	s15 =	stileid.u32  }
0x4: {  	s4 =	rddreg [dreg:$0x3];
	s0 =	srdreg.scid  }
0x5: {  	s5 =	simm.s32 $0x0;
	s16 =	simm.s32 $0x2;
	s3 =	sshll.u32 s15, $0x1  }
0x6: {  	s6 =	sand.u32 $0x1, s0;
	s23 =	sshrl.u32 s15, $0x3;
	[smem:$0x7FF] =	sst s5  }
0x7: {  	s9 =	sadd.s32 $0x800, s2;
	s11 =	sadd.s32 $0x100, s1;
	s12 =	sadd.s32 $0x200, s1  }
0x8: {  	s13 =	sadd.s32 $0x300, s1;
	s21 =	sand.u32 $0x7, s15;
	s15 =	simm.s32 $0x13000  }
0x9: {  	s17 =	sand.u32 $0xE, s3;
	s25 =	sshll.u32 s23, $0xA;
	_ =	strace $0x80000047  }
0xa: {  	s8 =	ssub.s32 $0x2, s6;
	[dreg:$0x5] =	wrdreg s9;
	s9 =	sadd.s32 $0x400, s10  }
0xb: {  	s10 =	sshll.u32 s23, $0x5;
	s22 =	sshll.u32 s21, $0x16;
	s24 =	sshll.u32 s6, $0x15  }
0xc: {  	s28 =	sshll.u32 s23, $0xF;
	s21 =	simm.s32 $0x1;
	s0 =	sor.u32 s6, s17  }
0xd: {  	s19 =	sshrl.u32 s8, $0x1;
	s17 =	simm.s32 $0x12000;
	s18 =	sshll.u32 s0, $0xB  }
0xe: {  	s20 =	ssub.s32 s8, s19;
	s19 =	simm.s32 $0x1A000;
	s7 =	sor.u32 s25, s18  }
0xf: {  	s8 =	simm.s32 $0x7;
	s14 =	sor.u32 s10, s18;
	s7 =	sshrl.u32 s7, $0x3  }
.Ltmp0:
0x10: {  	s30 =	smax.u32 s20, $0x1;
	s2 =	sadd.s32 s7, s2;
	(pc) =	sbr.rel .LBB2_1-.Ltmp0, $4  }
0x11: {  	s29 =	sshll.u32 s14, $0x7;
	s26 =	sadd.s32 $0x1000, s2;
	s2 =	sor.u32 s24, s22  }
0x12: {  	v0 =	vlaneseq.u32;
	v2 =	vimm.s32 $0x0;
	vm0 =	vmmov $0xffff;
	[dreg:$0x6] =	wrdreg s30;
	s31 =	sadd.s32 s4, s29;
	s2 =	sor.u32 s28, s2  }
0x13: {  	v6 =	vimm.f32 $0.0e+00;
	v4 =	vshrl.u32 v0, $0x3;
	v3 =	vand.u32 $0x7, v0;
	s7 =	simm.s32 $0x12800;
	[dreg:$0x7] =	wrdreg s31;
	s2 =	sadd.s32 $0xFFFF0000, s2  }
0x14: {  	v5 =	vor.u32 $0x8, v0;
	v4 =	vmul.u32 $0x8, v4;
	v1 =	vmov s0;
	s24 =	simm.s32 $0x8;
	[dreg:$0x8] =	wrdreg s2;
	s2 =	simm.s32 $0x0  }
.LBB2_46:
0x15: {  	[sflag:s8] =	ssyncadd.s32 $0xFFFFC000  }
.LBB2_47:
0x16: {  	s2 =	sadd.s32 $0x1, s2;
	s0 =	rddreg [dreg:$0x6]  }
0x17: {  	p0 =	sne.s32 s2, s0  }
.Ltmp1:
0x18: {  	_ = 	snop;
	(pc) =	sbr.rel @!p0 .LBB2_48-.Ltmp1, $1  }
0x19: {  	_ =	sdelay $0x3  }
.LBB2_1:
0x1a: {  	[dreg:$0x9] =	wrdreg s2  }
0x1b: {  	s0 =	rddreg [dreg:$0x5]  }
0x1c: {  	[tilespmem:s19], [sflag:$0x8] =	stream.linear.gather [hbm4b:s0+s5], $0x4000, $0x38;
	[tilespmem:$0x1F400] =	vst v63  }
0x1d: {  	_ =	swait.ge [sflag:s24], $0x4000  }
0x1e: {  	[sflag:s24] =	ssyncset.done $0x0  }
0x1f: {  	[sflag:s24] =	ssyncadd.s32 $0xFFFFC000  }
0x20: {  	s30 =	rddreg [dreg:$0x1]  }
0x21: {  	[tilespmem:s5], [sflag:$0x8] =	stream.linear.gather [hbm4b:s30+s5], $0x2000, $0x38;
	[tilespmem:$0x1F400] =	vst v63  }
0x22: {  	_ =	swait.ge [sflag:s24], $0x2000  }
0x23: {  	[sflag:s24] =	ssyncset.done $0x0  }
0x24: {  	s31 =	simm.s32 $0x0;
	[sflag:s24] =	ssyncadd.s32 $0xFFFFE000  }
0x25: {  	v9 =	vld [tilespmem:s31+$0x0]  }
0x26: {  	v7 =	vimm.s32 $0x0;
	v8 =	vimm.s32 $0x0;
	s0 =	simm.s32 $0x40  }
.LBB2_2:
0x27: {  	p0 =	sne.s32 s0, $0x7FC0  }
.Ltmp2:
0x28: {  	_ = 	snop;
	(pc) =	sbr.rel @p0 .LBB2_2-.Ltmp2, $4  }
0x29: {  	_ = 	snop  }
0x2a: {  	s2 =	sshra.s32 s0, $0x2;
	s0 =	sadd.s32 $0x40, s0;
	vm1 =	vlt.s32 v9, v1;
	vm2 =	vle.s32 v9, v1  }
0x2b: {  	v9 =	vld [tilespmem:s2+$0x0];
	v10 =	vsel vm1, $0x1, v2;
	v11 =	vsel vm2, $0x1, v2  }
0x2c: {  	v7 =	vadd.s32 v10, v7;
	v8 =	vadd.s32 v11, v8  }
0x2d: {  	s0 =	simm.s32 $0x0  }
0x2e: {  	[tilespmem:s0], [sflag:$0x8] =	stream.linear.gather [hbm4b:s9+s0], $0x2000, $0x38;
	[tilespmem:$0x1F400] =	vst v63  }
0x2f: {  	_ =	swait.ge [sflag:s24], $0x2000  }
0x30: {  	vm1 =	vlt.s32 v9, v1;
	[sflag:s24] =	ssyncset.done $0x0  }
0x31: {  	s2 =	simm.s32 $0x0;
	vm2 =	vle.s32 v9, v1;
	v9 =	vsel vm1, $0x1, v2;
	[sflag:s24] =	ssyncadd.s32 $0xFFFFE000  }
0x32: {  	v10 =	vsel vm2, $0x1, v2;
	v7 =	vadd.s32 v9, v7;
	v9 =	vld [tilespmem:s2+$0x0]  }
0x33: {  	s0 =	simm.s32 $0x40;
	v8 =	vadd.s32 v10, v8  }
.LBB2_4:
0x34: {  	p0 =	sne.s32 s0, $0x7FC0  }
.Ltmp3:
0x35: {  	_ = 	snop;
	(pc) =	sbr.rel @p0 .LBB2_4-.Ltmp3, $4  }
0x36: {  	_ = 	snop  }
0x37: {  	s2 =	sshra.s32 s0, $0x2;
	s0 =	sadd.s32 $0x40, s0;
	vm1 =	vlt.s32 v9, v1;
	vm2 =	vle.s32 v9, v1  }
0x38: {  	v9 =	vld [tilespmem:s2+$0x0];
	v10 =	vsel vm1, $0x1, v2;
	v11 =	vsel vm2, $0x1, v2  }
0x39: {  	v7 =	vadd.s32 v10, v7;
	v8 =	vadd.s32 v11, v8  }
0x3a: {  	_ =	sdelay $0x2  }
0x3b: {  	vm1 =	vlt.s32 v9, v1  }
0x3c: {  	vm2 =	vle.s32 v9, v1;
	v63 =	vsel vm1, $0x1, v2  }
0x3d: {  	v10 =	vsel vm2, $0x1, v2;
	v7 =	vadd.s32 v63, v7  }
0x3e: {  	v8 =	vadd.s32 v10, v8;
	(xrf0) =	vadd.scan.msk.s32 $0xffff, v7  }
0x3f: {  	(xrf0) =	vadd.scan.msk.s32 $0xffff, v8;
	_ =	sdelay $0x4  }
0x40: {  	v7, _, _ =	vpop (xrf0)  }
0x41: {  	(v2sf) =	vpush v7, $0xF;
	v8, _, _ =	vpop (xrf0)  }
0x42: {  	(v2sf) =	vpush v8, $0xF;
	_ =	sdelay $0xd  }
0x43: {  	s0 =	spop (v2sf)  }
0x44: {  	s2 =	spop (v2sf)  }
0x45: {  	s3 =	ssub.s32 s2, s0;
	p1 =	sne.s32 s2, s0  }
0x46: {  	s0 =	simm.s32 $0x1;
	p0 =	slt.s32 s3, $0x800;
	s29 =	smov.u32 s3  }
0x47: {  	s6 =	sshra.s32 s3, $0x1F;
	s0 =	simm.s32 @!p1 $0x0;
	s29 =	simm.s32 @!p0 $0x800  }
0x48: {  	s0 =	sor.u32 s0, s6;
	s18 =	sand.u32 $0x1F, s29  }
0x49: {  	s20 =	sshra.s32 s29, $0x1F;
	p1 =	sne.s32 s0, $0x1;
	p2 =	sne.s32 s18, $0x0  }
0x4a: {  	s22 =	sshrl.u32 s20, $0x1B;
	p0 =	por !p1, !p2  }
0x4b: {  	s2 =	simm.s32 $0x1;
	s0 =	sadd.s32 s22, s29;
	p0 =	por !p0, !p0  }
0x4c: {  	s0 =	sshra.s32 s0, $0x5;
	s2 =	simm.s32 @!p0 $0x0  }
0x4d: {  	s18 =	ssub.s32 s0, s2  }
0x4e: {  	s6 =	ssub.s32 s18, s23;
	s22 =	sshll.u32 s18, $0x5  }
0x4f: {  	s31 =	sadd.s32 $0x1, s6;
	s22 =	ssub.s32 s29, s22;
	p3 =	slt.s32 s6, $0x0  }
0x50: {  	s20 =	sshrl.u32 s31, $0x1F;
	s0 =	sand.u32 $0x1, s31;
	p5 =	sgt.s32 s22, $0x0  }
0x51: {  	s2 =	sadd.s32 s20, s31;
	p4 =	seq.s32 s0, $0x1;
	s31 =	sand.u32 $0x1, s18  }
0x52: {  	s0 =	simm.s32 $0x1;
	p0 =	por !p3, !p4;
	p3 =	seq.s32 s31, s23  }
0x53: {  	s28 =	sshra.s32 s2, $0x1;
	p2 =	por !p0, !p0;
	p6 =	por !p3, !p5  }
0x54: {  	s2 =	simm.s32 $0x1;
	s0 =	simm.s32 @!p2 $0x0;
	p1 =	por !p6, !p6  }
0x55: {  	s20 =	ssub.s32 s28, s0;
	s2 =	simm.s32 @!p1 $0x0  }
0x56: {  	s30 =	sadd.s32 s2, s20  }
0x57: {  	p0 =	sgt.s32 s30, $0x1F  }
.Ltmp4:
0x58: {  	_ = 	snop;
	(pc) =	sbr.rel @p0 .LBB2_13-.Ltmp4, $4  }
0x59: {  	[dreg:$0xc] =	wrdreg s6;
	s6 =	sshll.u32 s30, $0x1  }
0x5a: {  	[dreg:$0xa] =	wrdreg s3;
	p3 =	sgt.s32 s6, $0x3F;
	s0 =	smov.u32 s6  }
0x5b: {  	[dreg:$0xd] =	wrdreg s18;
	s0 =	simm.s32 @!p3 $0x3F  }
0x5c: {  	[dreg:$0xb] =	wrdreg s0  }
0x5d: {  	s0 =	sshrl.u32 s6, $0x1F;
	s18 =	rddreg [dreg:$0xb]  }
0x5e: {  	s31 =	sadd.s32 $0x1, s6;
	s2 =	sadd.s32 s0, s6;
	s0 =	sadd.s32 $0x1, s18  }
0x5f: {  	p5 =	sne.s32 s0, s31  }
.Ltmp5:
0x60: {  	_ = 	snop;
	(pc) =	sbr.rel @!p5 .LBB2_7-.Ltmp5, $4  }
0x61: {  	_ = 	snop  }
0x62: {  	s3 =	sand.u32 $0xFFFFFFFE, s2  }
0x63: {  	p3 =	slt.s32 s6, $0x1;
	p4 =	sne.s32 s6, s3  }
0x64: {  	s18 =	sshll.u32 s30, $0x5;
	p4 =	por !p3, !p4;
	p3 =	por $0x0, $0x0  }
0x65: {  	[dreg:$0xe] =	wrdreg s20;
	p3 =	por !p4, !p4;
	s3 =	simm.s32 $0x1  }
0x66: {  	s2 =	sshrl.u32 s2, $0x1;
	s20 =	sand.u32 $0x10, s18;
	s3 =	simm.s32 @!p3 $0x0  }
0x67: {  	s7 =	sor.u32 s14, s20;
	s2 =	ssub.s32 s2, s3  }
0x68: {  	s3 =	sshll.u32 s7, $0x7;
	s17 =	sshll.u32 s2, $0xD  }
0x69: {  	s20 =	sadd.s32 s3, s17;
	s3 =	sadd.s32 $0x1, s31  }
0x6a: {  	s24 =	smov.u32 s25;
	s15 =	sshrl.u32 s31, $0x1F;
	p5 =	sne.s32 s0, s3  }
.Ltmp6:
0x6b: {  	s25 =	smov.u32 s28;
	s2 =	sadd.s32 s15, s31;
	(pc) =	sbr.rel @!p5 .LBB2_9-.Ltmp6, $4  }
0x6c: {  	s28 =	smov.u32 s9;
	s9 =	smov.u32 s23;
	s23 =	sand.u32 $0xFFFFFFFE, s2  }
0x6d: {  	p4 =	slt.s32 s31, $0x1;
	s20 =	sadd.s32 s4, s20;
	p6 =	sne.s32 s31, s23  }
0x6e: {  	[hbm4b:s20+s5] =	stream.linear.scatter [tilespmem:s19], [sflag:$0x7], $0x4000, $0x38;
	[tilespmem:$0x1F400] =	vst v63  }
0x6f: {  	p3 =	por $0x1, $0x1;
	s31 =	smov.u32 s18;
	p4 =	por !p4, !p6  }
.LBB2_10:
0x70: {  	s20 =	sshrl.u32 s3, $0x1F  }
0x71: {  	p4 =	por !p4, !p4;
	s31 =	sadd.s32 $0x10, s31;
	s17 =	simm.s32 $0x1  }
0x72: {  	s23 =	smov.u32 s3;
	s15 =	sshrl.u32 s2, $0x1;
	s17 =	simm.s32 @!p4 $0x0  }
0x73: {  	s7 =	sand.u32 $0x10, s31;
	s2 =	sadd.s32 s20, s3;
	s3 =	sadd.s32 $0x1, s3  }
0x74: {  	s15 =	ssub.s32 s15, s17;
	s7 =	sor.u32 s14, s7;
	p5 =	sne.s32 s0, s3  }
.Ltmp7:
0x75: {  	s15 =	sshll.u32 s15, $0xD;
	s7 =	sshll.u32 s7, $0x7;
	(pc) =	sbr.rel @p5 .LBB2_10-.Ltmp7, $4  }
0x76: {  	s17 =	sand.u32 $0xFFFFFFFE, s2;
	s7 =	sadd.s32 s7, s15  }
0x77: {  	p4 =	slt.s32 s23, $0x1;
	p6 =	sne.s32 s23, s17;
	s7 =	sadd.s32 s4, s7  }
0x78: {  	[hbm4b:s7+s5] =	stream.linear.scatter [tilespmem:s19], [sflag:$0x7], $0x4000, $0x38;
	[tilespmem:$0x1F400] =	vst v63  }
0x79: {  	p4 =	por !p4, !p6  }
0x7a: {  	s23 =	smov.u32 s9  }
0x7b: {  	s0 =	smov.u32 s24;
	s9 =	smov.u32 s28;
	s24 =	simm.s32 $0x8  }
0x7c: {  	s17 =	simm.s32 $0x12000;
	s7 =	simm.s32 $0x12800;
	s15 =	simm.s32 $0x13000  }
0x7d: {  	s20 =	rddreg [dreg:$0xe];
	s28 =	smov.u32 s25;
	s25 =	smov.u32 s0  }
.LBB2_12:
0x7e: {  	s0 =	sadd.s32 @p3 $0x10, s31;
	p4 =	por !p4, !p4  }
0x7f: {  	s3 =	simm.s32 $0x1;
	s2 =	sshrl.u32 s2, $0x1;
	s18 =	smov.u32 @p3 s0  }
0x80: {  	s3 =	simm.s32 @!p4 $0x0;
	p3 =	slt.s32 s30, $0x1;
	s31 =	sand.u32 $0x10, s18  }
.Ltmp8:
0x81: {  	s0 =	ssub.s32 s2, s3;
	s2 =	sor.u32 s14, s31;
	(pc) =	sbr.rel @p3 .LBB2_15-.Ltmp8, $4  }
0x82: {  	s0 =	sshll.u32 s0, $0xD;
	s2 =	sshll.u32 s2, $0x7  }
0x83: {  	s0 =	sadd.s32 s2, s0  }
0x84: {  	s18 =	simm.s32 $0x13800;
	s0 =	sadd.s32 s4, s0  }
0x85: {  	[hbm4b:s0+s5] =	stream.linear.scatter [tilespmem:s19], [sflag:$0x7], $0x4000, $0x38;
	[tilespmem:$0x1F400] =	vst v63  }
.LBB2_13:
0x86: {  	p4 =	seq.s32 s6, $0x1  }
.Ltmp9:
0x87: {  	_ = 	snop;
	(pc) =	sbr.rel @p4 .LBB2_14-.Ltmp9, $4  }
0x88: {  	s0 =	sadd.s32 $0xFFFFFFFF, s29  }
0x89: {  	s31 =	simm.s32 $0x0;
	p3 =	sgt.s32 s0, $0x0  }
0x8a: {  	s2 =	simm.s32 $0x10;
	s30 =	simm.s32 $0x0;
	s0 =	simm.s32 @!p3 $0x0  }
0x8b: {  	v7 =	vbroadcast v7, $0xF;
	s18 =	sand.u32 $0x10, s31;
	p3 =	por $0x0, $0x0;
	v8 =	vmov s0;
	s0 =	simm.s32 $0x0  }
0x8c: {  	s0 =	sor.u32 s10, s30;
	p4 =	seq.s32 s6, $0x2  }
.Ltmp10:
0x8d: {  	s0 =	sor.u32 s18, s0;
	(pc) =	sbr.rel @p4 .LBB2_21-.Ltmp10, $4  }
0x8e: {  	v9 =	vor.u32 s0, v0  }
0x8f: {  	s2 =	sand.u32 $0x10, s2;
	s3 =	simm.s32 $0x2;
	vm1 =	vlt.s32 v9, v8  }
0x90: {  	s29 =	simm.s32 $0x20;
	s7 =	simm.s32 $0x0;
	s30 =	simm.s32 $0x0;
	v9 =	vsel vm1, v9, v8  }
0x91: {  	p3 =	por $0x1, $0x1;
	s31 =	sor.u32 s18, s7;
	s0 =	simm.s32 $0x0;
	v9 =	vadd.s32 v7, v9  }
.LBB2_22:
0x92: {  	s7 =	sor.u32 s10, s30;
	s17 =	smov.u32 s3;
	s3 =	sadd.s32 $0x1, s3  }
0x93: {  	[tilespmem:s31+$0x1E000] =	vst v9;
	s15 =	smov.u32 s2;
	s2 =	sand.u32 $0x10, s29;
	p4 =	seq.s32 s6, s3  }
.Ltmp11:
0x94: {  	s7 =	sor.u32 s15, s7;
	(pc) =	sbr.rel @!p4 .LBB2_22-.Ltmp11, $4  }
0x95: {  	v9 =	vor.u32 s7, v0  }
0x96: {  	vm1 =	vlt.s32 v9, v8  }
0x97: {  	s29 =	sadd.s32 $0x10, s29;
	s7 =	sshrl.u32 s17, $0x1;
	s17 =	sshra.s32 s0, $0x2;
	v9 =	vsel vm1, v9, v8  }
0x98: {  	s30 =	sshll.u32 s7, $0x6;
	s0 =	sshll.u32 s7, $0x9;
	s31 =	sor.u32 s15, s17;
	v9 =	vadd.s32 v7, v9  }
0x99: {  	s18 =	smov.u32 s2  }
0x9a: {  	s17 =	simm.s32 $0x12000;
	s7 =	simm.s32 $0x12800;
	s15 =	simm.s32 $0x13000  }
.LBB2_24:
0x9b: {  	s2 =	sor.u32 s10, s30  }
0x9c: {  	s2 =	sor.u32 s18, s2  }
0x9d: {  	v10 =	vor.u32 s2, v0  }
0x9e: {  	vm1 =	vlt.s32 v10, v8  }
0x9f: {  	s0 =	sshra.s32 s0, $0x2;
	v8 =	vsel vm1, v10, v8  }
0xa0: {  	[tilespmem:s31+$0x1E000] =	vst @p3 v9;
	s0 =	sor.u32 s18, s0;
	v7 =	vadd.s32 v7, v8  }
0xa1: {  	s18 =	simm.s32 $0x13800;
	[tilespmem:s0+$0x1E000] =	vst v7  }
.LBB2_15:
0xa2: {  	p3 =	slt.s32 s20, $0x1  }
.Ltmp12:
0xa3: {  	_ = 	snop;
	(pc) =	sbr.rel @p3 .LBB2_35-.Ltmp12, $1  }
0xa4: {  	_ =	sdelay $0x3  }
.Ltmp13:
0xa5: {  	(pc) =	sbr.rel .LBB2_17-.Ltmp13, $4  }
0xa6: {  	_ = 	snop  }
0xa7: {  	s0 =	simm.s32 $0xFFFFFFFF  }
0xa8: {  	s29 =	simm.s32 $0x0;
	s0 =	simm.s32 @!p2 $0x0  }
0xa9: {  	s30 =	simm.s32 $0x1E010;
	s31 =	rddreg [dreg:$0x8];
	s28 =	sadd.s32 s0, s28  }
.LBB2_26:
0xaa: {  	p2 =	slt.u32 s29, $0x3  }
0xab: {  	s0 =	simm.s32 @!p2 $0x6  }
0xac: {  	_ =	swait.ge @!p2 [sflag:s0], $0x8000  }
0xad: {  	[sflag:s0] =	ssyncset.done @!p2 $0x0  }
0xae: {  	[sflag:s0] =	ssyncadd.s32 @!p2 $0xFFFF8000  }
0xaf: {  	v7 =	vld [tilespmem:s30+$0xFFFFFFF0];
	_ =	sdelay $0x4  }
0xb0: {  	v8 =	vshll.u32 v7, $0x3  }
0xb1: {  	v7 =	vand.u32 $0x7, v7;
	v8 =	vand.u32 $0xFFFFFFC0, v8  }
0xb2: {  	v7 =	vor.u32 v7, v8  }
0xb3: {  	v8 =	vperm.xlane v7, v3;
	_ =	sdelay $0x1  }
0xb4: {  	v8 =	vadd.s32 v4, v8;
	_ =	sdelay $0x4  }
0xb5: {  	[tilespmem:s17], [sflag:$0x3] =	stream.indirect_vreg.gather [hbm4b:s1+s5], $0x80, v8, vm0, $0xb8;
	[tilespmem:$0x1F400] =	vst v63  }
0xb6: {  	v7 =	vperm.xlane v7, v5  }
0xb7: {  	[tilespmem:s7], [sflag:$0x3] =	stream.indirect_vreg.gather [hbm4b:s11+s5], $0x80, v8, vm0, $0xb8;
	[tilespmem:$0x1F400] =	vst v63  }
0xb8: {  	v7 =	vadd.s32 v4, v7  }
0xb9: {  	[tilespmem:s15], [sflag:$0x3] =	stream.indirect_vreg.gather [hbm4b:s12+s5], $0x80, v8, vm0, $0xb8;
	[tilespmem:$0x1F400] =	vst v63  }
0xba: {  	_ = 	snop  }
0xbb: {  	[tilespmem:s18], [sflag:$0x3] =	stream.indirect_vreg.gather [hbm4b:s13+s5], $0x80, v8, vm0, $0xb8;
	[tilespmem:$0x1F400] =	vst v63  }
0xbc: {  	s3 =	simm.s32 $0x14000  }
0xbd: {  	[tilespmem:s3], [sflag:$0x3] =	stream.indirect_vreg.gather [hbm4b:s1+s5], $0x80, v7, vm0, $0xb8;
	[tilespmem:$0x1F400] =	vst v63  }
0xbe: {  	s2 =	simm.s32 $0x14800  }
0xbf: {  	[tilespmem:s2], [sflag:$0x3] =	stream.indirect_vreg.gather [hbm4b:s11+s5], $0x80, v7, vm0, $0xb8;
	[tilespmem:$0x1F400] =	vst v63  }
0xc0: {  	s3 =	simm.s32 $0x15000  }
0xc1: {  	[tilespmem:s3], [sflag:$0x3] =	stream.indirect_vreg.gather [hbm4b:s12+s5], $0x80, v7, vm0, $0xb8;
	[tilespmem:$0x1F400] =	vst v63  }
0xc2: {  	s2 =	simm.s32 $0x15800  }
0xc3: {  	[tilespmem:s2], [sflag:$0x3] =	stream.indirect_vreg.gather [hbm4b:s13+s5], $0x80, v7, vm0, $0xb8;
	[tilespmem:$0x1F400] =	vst v63  }
0xc4: {  	v7 =	vld [tilespmem:s30+$0x0];
	_ =	sdelay $0x4  }
0xc5: {  	v8 =	vshll.u32 v7, $0x3  }
0xc6: {  	v7 =	vand.u32 $0x7, v7;
	v8 =	vand.u32 $0xFFFFFFC0, v8  }
0xc7: {  	v7 =	vor.u32 v7, v8  }
0xc8: {  	v8 =	vperm.xlane v7, v3;
	_ =	sdelay $0x1  }
0xc9: {  	v8 =	vadd.s32 v4, v8;
	_ =	sdelay $0x3  }
0xca: {  	s3 =	simm.s32 $0x16000  }
0xcb: {  	[tilespmem:s3], [sflag:$0x3] =	stream.indirect_vreg.gather [hbm4b:s1+s5], $0x80, v8, vm0, $0xb8;
	[tilespmem:$0x1F400] =	vst v63  }
0xcc: {  	s2 =	simm.s32 $0x16800;
	v7 =	vperm.xlane v7, v5  }
0xcd: {  	[tilespmem:s2], [sflag:$0x3] =	stream.indirect_vreg.gather [hbm4b:s11+s5], $0x80, v8, vm0, $0xb8;
	[tilespmem:$0x1F400] =	vst v63  }
0xce: {  	v7 =	vadd.s32 v4, v7;
	s3 =	simm.s32 $0x17000  }
0xcf: {  	[tilespmem:s3], [sflag:$0x3] =	stream.indirect_vreg.gather [hbm4b:s12+s5], $0x80, v8, vm0, $0xb8;
	[tilespmem:$0x1F400] =	vst v63  }
0xd0: {  	s2 =	simm.s32 $0x17800  }
0xd1: {  	[tilespmem:s2], [sflag:$0x3] =	stream.indirect_vreg.gather [hbm4b:s13+s5], $0x80, v8, vm0, $0xb8;
	[tilespmem:$0x1F400] =	vst v63  }
0xd2: {  	s3 =	simm.s32 $0x18000  }
0xd3: {  	[tilespmem:s3], [sflag:$0x3] =	stream.indirect_vreg.gather [hbm4b:s1+s5], $0x80, v7, vm0, $0xb8;
	[tilespmem:$0x1F400] =	vst v63  }
0xd4: {  	s2 =	simm.s32 $0x18800  }
0xd5: {  	[tilespmem:s2], [sflag:$0x3] =	stream.indirect_vreg.gather [hbm4b:s11+s5], $0x80, v7, vm0, $0xb8;
	[tilespmem:$0x1F400] =	vst v63  }
0xd6: {  	s3 =	simm.s32 $0x19000  }
0xd7: {  	[tilespmem:s3], [sflag:$0x3] =	stream.indirect_vreg.gather [hbm4b:s12+s5], $0x80, v7, vm0, $0xb8;
	[tilespmem:$0x1F400] =	vst v63  }
0xd8: {  	s2 =	simm.s32 $0x19800  }
0xd9: {  	[tilespmem:s2], [sflag:$0x3] =	stream.indirect_vreg.gather [hbm4b:s13+s5], $0x80, v7, vm0, $0xb8;
	[tilespmem:$0x1F400] =	vst v63  }
0xda: {  	_ =	swait.ge [sflag:s16], $0x8000  }
0xdb: {  	s3 =	sshrl.u32 s31, $0x3;
	[sflag:s16] =	ssyncset.done $0x0  }
0xdc: {  	s0 =	sadd.s32 s4, s3;
	s2 =	simm.s32 $0xA000;
	[sflag:s16] =	ssyncadd.s32 $0xFFFF8000  }
0xdd: {  	[hbm4b:s0+s5] =	stream.linear.scatter [tilespmem:s2], [sflag:$0x5], $0x8000, $0x38;
	[tilespmem:$0x1F400] =	vst v63  }
.LBB2_27:
0xde: {  	s29 =	sadd.s32 $0x1, s29  }
0xdf: {  	p2 =	sne.s32 s28, s29  }
.Ltmp14:
0xe0: {  	_ = 	snop;
	(pc) =	sbr.rel @!p2 .LBB2_28-.Ltmp14, $2  }
0xe1: {  	_ =	sdelay $0x2  }
0xe2: {  	s31 =	sadd.s32 $0x10000, s31;
	s30 =	sadd.s32 $0x80, s30  }
.LBB2_17:
0xe3: {  	s0 =	smulhi.u32 $0xAAAAAAAB, s29;
	_ =	sdelay $0x1  }
0xe4: {  	s0 =	sshrl.u32 s0, $0x1  }
0xe5: {  	s0 =	smul.u32 $0xFFFFFFFD, s0;
	_ =	sdelay $0x1  }
0xe6: {  	s0 =	sadd.s32 s0, s29  }
0xe7: {  	p2 =	seq.s32 s0, $0x2  }
.Ltmp15:
0xe8: {  	_ = 	snop;
	(pc) =	sbr.rel @p2 .LBB2_26-.Ltmp15, $1  }
0xe9: {  	_ =	sdelay $0x3  }
0xea: {  	p2 =	seq.s32 s0, $0x1  }
.Ltmp16:
0xeb: {  	_ = 	snop;
	(pc) =	sbr.rel @!p2 .LBB2_19-.Ltmp16, $1  }
0xec: {  	_ =	sdelay $0x3  }
0xed: {  	p2 =	slt.u32 s29, $0x3  }
0xee: {  	s0 =	simm.s32 @!p2 $0x5  }
0xef: {  	_ =	swait.ge @!p2 [sflag:s0], $0x8000  }
0xf0: {  	[sflag:s0] =	ssyncset.done @!p2 $0x0  }
0xf1: {  	[sflag:s0] =	ssyncadd.s32 @!p2 $0xFFFF8000  }
0xf2: {  	v7 =	vld [tilespmem:s30+$0xFFFFFFF0];
	_ =	sdelay $0x4  }
0xf3: {  	v8 =	vshll.u32 v7, $0x3  }
0xf4: {  	v7 =	vand.u32 $0x7, v7;
	v8 =	vand.u32 $0xFFFFFFC0, v8  }
0xf5: {  	v7 =	vor.u32 v7, v8  }
0xf6: {  	v8 =	vperm.xlane v7, v3;
	_ =	sdelay $0x1  }
0xf7: {  	v8 =	vadd.s32 v4, v8;
	_ =	sdelay $0x3  }
0xf8: {  	s3 =	simm.s32 $0xA000  }
0xf9: {  	[tilespmem:s3], [sflag:$0x2] =	stream.indirect_vreg.gather [hbm4b:s1+s5], $0x80, v8, vm0, $0xb8;
	[tilespmem:$0x1F400] =	vst v63  }
0xfa: {  	s2 =	simm.s32 $0xA800;
	v7 =	vperm.xlane v7, v5  }
0xfb: {  	[tilespmem:s2], [sflag:$0x2] =	stream.indirect_vreg.gather [hbm4b:s11+s5], $0x80, v8, vm0, $0xb8;
	[tilespmem:$0x1F400] =	vst v63  }
0xfc: {  	v7 =	vadd.s32 v4, v7;
	s3 =	simm.s32 $0xB000  }
0xfd: {  	[tilespmem:s3], [sflag:$0x2] =	stream.indirect_vreg.gather [hbm4b:s12+s5], $0x80, v8, vm0, $0xb8;
	[tilespmem:$0x1F400] =	vst v63  }
0xfe: {  	s2 =	simm.s32 $0xB800  }
0xff: {  	[tilespmem:s2], [sflag:$0x2] =	stream.indirect_vreg.gather [hbm4b:s13+s5], $0x80, v8, vm0, $0xb8;
	[tilespmem:$0x1F400] =	vst v63  }
0x100: {  	s3 =	simm.s32 $0xC000  }
0x101: {  	[tilespmem:s3], [sflag:$0x2] =	stream.indirect_vreg.gather [hbm4b:s1+s5], $0x80, v7, vm0, $0xb8;
	[tilespmem:$0x1F400] =	vst v63  }
0x102: {  	s2 =	simm.s32 $0xC800  }
0x103: {  	[tilespmem:s2], [sflag:$0x2] =	stream.indirect_vreg.gather [hbm4b:s11+s5], $0x80, v7, vm0, $0xb8;
	[tilespmem:$0x1F400] =	vst v63  }
0x104: {  	s3 =	simm.s32 $0xD000  }
0x105: {  	[tilespmem:s3], [sflag:$0x2] =	stream.indirect_vreg.gather [hbm4b:s12+s5], $0x80, v7, vm0, $0xb8;
	[tilespmem:$0x1F400] =	vst v63  }
0x106: {  	s2 =	simm.s32 $0xD800  }
0x107: {  	[tilespmem:s2], [sflag:$0x2] =	stream.indirect_vreg.gather [hbm4b:s13+s5], $0x80, v7, vm0, $0xb8;
	[tilespmem:$0x1F400] =	vst v63  }
0x108: {  	v7 =	vld [tilespmem:s30+$0x0];
	_ =	sdelay $0x4  }
0x109: {  	v8 =	vshll.u32 v7, $0x3  }
0x10a: {  	v7 =	vand.u32 $0x7, v7;
	v8 =	vand.u32 $0xFFFFFFC0, v8  }
0x10b: {  	v7 =	vor.u32 v7, v8  }
0x10c: {  	v8 =	vperm.xlane v7, v3;
	_ =	sdelay $0x1  }
0x10d: {  	v8 =	vadd.s32 v4, v8;
	_ =	sdelay $0x3  }
0x10e: {  	s3 =	simm.s32 $0xE000  }
0x10f: {  	[tilespmem:s3], [sflag:$0x2] =	stream.indirect_vreg.gather [hbm4b:s1+s5], $0x80, v8, vm0, $0xb8;
	[tilespmem:$0x1F400] =	vst v63  }
0x110: {  	s2 =	simm.s32 $0xE800;
	v7 =	vperm.xlane v7, v5  }
0x111: {  	[tilespmem:s2], [sflag:$0x2] =	stream.indirect_vreg.gather [hbm4b:s11+s5], $0x80, v8, vm0, $0xb8;
	[tilespmem:$0x1F400] =	vst v63  }
0x112: {  	v7 =	vadd.s32 v4, v7;
	s3 =	simm.s32 $0xF000  }
0x113: {  	[tilespmem:s3], [sflag:$0x2] =	stream.indirect_vreg.gather [hbm4b:s12+s5], $0x80, v8, vm0, $0xb8;
	[tilespmem:$0x1F400] =	vst v63  }
0x114: {  	s2 =	simm.s32 $0xF800  }
0x115: {  	[tilespmem:s2], [sflag:$0x2] =	stream.indirect_vreg.gather [hbm4b:s13+s5], $0x80, v8, vm0, $0xb8;
	[tilespmem:$0x1F400] =	vst v63  }
0x116: {  	s3 =	simm.s32 $0x10000  }
0x117: {  	[tilespmem:s3], [sflag:$0x2] =	stream.indirect_vreg.gather [hbm4b:s1+s5], $0x80, v7, vm0, $0xb8;
	[tilespmem:$0x1F400] =	vst v63  }
0x118: {  	s2 =	simm.s32 $0x10800  }
0x119: {  	[tilespmem:s2], [sflag:$0x2] =	stream.indirect_vreg.gather [hbm4b:s11+s5], $0x80, v7, vm0, $0xb8;
	[tilespmem:$0x1F400] =	vst v63  }
0x11a: {  	s3 =	simm.s32 $0x11000  }
0x11b: {  	[tilespmem:s3], [sflag:$0x2] =	stream.indirect_vreg.gather [hbm4b:s12+s5], $0x80, v7, vm0, $0xb8;
	[tilespmem:$0x1F400] =	vst v63  }
0x11c: {  	s2 =	simm.s32 $0x11800  }
0x11d: {  	[tilespmem:s2], [sflag:$0x2] =	stream.indirect_vreg.gather [hbm4b:s13+s5], $0x80, v7, vm0, $0xb8;
	[tilespmem:$0x1F400] =	vst v63  }
.Ltmp17:
0x11e: {  	_ = 	snop;
	(pc) =	sbr.rel .LBB2_27-.Ltmp17, $4  }
0x11f: {  	_ =	swait.ge [sflag:s21], $0x8000  }
0x120: {  	s3 =	sshrl.u32 s31, $0x3;
	[sflag:s21] =	ssyncset.done $0x0  }
0x121: {  	s0 =	sadd.s32 s4, s3;
	s2 =	simm.s32 $0x2000;
	[sflag:s21] =	ssyncadd.s32 $0xFFFF8000  }
0x122: {  	[hbm4b:s0+s5] =	stream.linear.scatter [tilespmem:s2], [sflag:$0x4], $0x8000, $0x38;
	[tilespmem:$0x1F400] =	vst v63  }
.LBB2_19:
0x123: {  	p2 =	slt.u32 s29, $0x3  }
0x124: {  	s0 =	simm.s32 @!p2 $0x4  }
0x125: {  	_ =	swait.ge @!p2 [sflag:s0], $0x8000  }
0x126: {  	[sflag:s0] =	ssyncset.done @!p2 $0x0  }
0x127: {  	[sflag:s0] =	ssyncadd.s32 @!p2 $0xFFFF8000  }
0x128: {  	v7 =	vld [tilespmem:s30+$0xFFFFFFF0];
	_ =	sdelay $0x4  }
0x129: {  	v8 =	vshll.u32 v7, $0x3  }
0x12a: {  	v7 =	vand.u32 $0x7, v7;
	v8 =	vand.u32 $0xFFFFFFC0, v8  }
0x12b: {  	v7 =	vor.u32 v7, v8  }
0x12c: {  	v8 =	vperm.xlane v7, v3;
	_ =	sdelay $0x1  }
0x12d: {  	v8 =	vadd.s32 v4, v8;
	_ =	sdelay $0x3  }
0x12e: {  	s2 =	simm.s32 $0x2000  }
0x12f: {  	[tilespmem:s2], [sflag:$0x1] =	stream.indirect_vreg.gather [hbm4b:s1+s5], $0x80, v8, vm0, $0xb8;
	[tilespmem:$0x1F400] =	vst v63  }
0x130: {  	s3 =	simm.s32 $0x2800;
	v7 =	vperm.xlane v7, v5  }
0x131: {  	[tilespmem:s3], [sflag:$0x1] =	stream.indirect_vreg.gather [hbm4b:s11+s5], $0x80, v8, vm0, $0xb8;
	[tilespmem:$0x1F400] =	vst v63  }
0x132: {  	v7 =	vadd.s32 v4, v7;
	s2 =	simm.s32 $0x3000  }
0x133: {  	[tilespmem:s2], [sflag:$0x1] =	stream.indirect_vreg.gather [hbm4b:s12+s5], $0x80, v8, vm0, $0xb8;
	[tilespmem:$0x1F400] =	vst v63  }
0x134: {  	s3 =	simm.s32 $0x3800  }
0x135: {  	[tilespmem:s3], [sflag:$0x1] =	stream.indirect_vreg.gather [hbm4b:s13+s5], $0x80, v8, vm0, $0xb8;
	[tilespmem:$0x1F400] =	vst v63  }
0x136: {  	s2 =	simm.s32 $0x4000  }
0x137: {  	[tilespmem:s2], [sflag:$0x1] =	stream.indirect_vreg.gather [hbm4b:s1+s5], $0x80, v7, vm0, $0xb8;
	[tilespmem:$0x1F400] =	vst v63  }
0x138: {  	s3 =	simm.s32 $0x4800  }
0x139: {  	[tilespmem:s3], [sflag:$0x1] =	stream.indirect_vreg.gather [hbm4b:s11+s5], $0x80, v7, vm0, $0xb8;
	[tilespmem:$0x1F400] =	vst v63  }
0x13a: {  	s2 =	simm.s32 $0x5000  }
0x13b: {  	[tilespmem:s2], [sflag:$0x1] =	stream.indirect_vreg.gather [hbm4b:s12+s5], $0x80, v7, vm0, $0xb8;
	[tilespmem:$0x1F400] =	vst v63  }
0x13c: {  	s3 =	simm.s32 $0x5800  }
0x13d: {  	[tilespmem:s3], [sflag:$0x1] =	stream.indirect_vreg.gather [hbm4b:s13+s5], $0x80, v7, vm0, $0xb8;
	[tilespmem:$0x1F400] =	vst v63  }
0x13e: {  	v7 =	vld [tilespmem:s30+$0x0];
	_ =	sdelay $0x4  }
0x13f: {  	v8 =	vshll.u32 v7, $0x3  }
0x140: {  	v7 =	vand.u32 $0x7, v7;
	v8 =	vand.u32 $0xFFFFFFC0, v8  }
0x141: {  	v7 =	vor.u32 v7, v8  }
0x142: {  	v8 =	vperm.xlane v7, v3;
	_ =	sdelay $0x1  }
0x143: {  	v8 =	vadd.s32 v4, v8;
	_ =	sdelay $0x3  }
0x144: {  	s2 =	simm.s32 $0x6000  }
0x145: {  	[tilespmem:s2], [sflag:$0x1] =	stream.indirect_vreg.gather [hbm4b:s1+s5], $0x80, v8, vm0, $0xb8;
	[tilespmem:$0x1F400] =	vst v63  }
0x146: {  	s3 =	simm.s32 $0x6800;
	v7 =	vperm.xlane v7, v5  }
0x147: {  	[tilespmem:s3], [sflag:$0x1] =	stream.indirect_vreg.gather [hbm4b:s11+s5], $0x80, v8, vm0, $0xb8;
	[tilespmem:$0x1F400] =	vst v63  }
0x148: {  	v7 =	vadd.s32 v4, v7;
	s2 =	simm.s32 $0x7000  }
0x149: {  	[tilespmem:s2], [sflag:$0x1] =	stream.indirect_vreg.gather [hbm4b:s12+s5], $0x80, v8, vm0, $0xb8;
	[tilespmem:$0x1F400] =	vst v63  }
0x14a: {  	s3 =	simm.s32 $0x7800  }
0x14b: {  	[tilespmem:s3], [sflag:$0x1] =	stream.indirect_vreg.gather [hbm4b:s13+s5], $0x80, v8, vm0, $0xb8;
	[tilespmem:$0x1F400] =	vst v63  }
0x14c: {  	s2 =	simm.s32 $0x8000  }
0x14d: {  	[tilespmem:s2], [sflag:$0x1] =	stream.indirect_vreg.gather [hbm4b:s1+s5], $0x80, v7, vm0, $0xb8;
	[tilespmem:$0x1F400] =	vst v63  }
0x14e: {  	s3 =	simm.s32 $0x8800  }
0x14f: {  	[tilespmem:s3], [sflag:$0x1] =	stream.indirect_vreg.gather [hbm4b:s11+s5], $0x80, v7, vm0, $0xb8;
	[tilespmem:$0x1F400] =	vst v63  }
0x150: {  	p2 =	seq.s32 s29, $0x0;
	s2 =	simm.s32 $0x9000  }
0x151: {  	[tilespmem:s2], [sflag:$0x1] =	stream.indirect_vreg.gather [hbm4b:s12+s5], $0x80, v7, vm0, $0xb8;
	[tilespmem:$0x1F400] =	vst v63  }
0x152: {  	s0 =	simm.s32 @!p2 $0x3;
	s3 =	simm.s32 $0x9800  }
0x153: {  	[tilespmem:s3], [sflag:$0x1] =	stream.indirect_vreg.gather [hbm4b:s13+s5], $0x80, v7, vm0, $0xb8;
	[tilespmem:$0x1F400] =	vst v63  }
.Ltmp18:
0x154: {  	_ =	swait.ge @!p2 [sflag:s0], $0x8000;
	(pc) =	sbr.rel .LBB2_27-.Ltmp18, $4  }
0x155: {  	[sflag:s0] =	ssyncset.done @!p2 $0x0  }
0x156: {  	[sflag:s0] =	ssyncadd.s32 @!p2 $0xFFFF8000;
	s0 =	sshrl.u32 @!p2 s31, $0x3  }
0x157: {  	s2 =	simm.s32 @!p2 $0x0;
	s3 =	simm.s32 @!p2 $0x12000;
	s0 =	sadd.s32 @!p2 s4, s0  }
0x158: {  	[hbm4b:s0+s2] =	stream.linear.scatter @!p2 [tilespmem:s3], [sflag:$0x6], $0x8000, $0x38;
	[tilespmem:$0x1F400] =	vst v63  }
.LBB2_28:
0x159: {  	s0 =	sadd.s32 $0xFFFFFFFF, s20  }
0x15a: {  	s2 =	smulhi.u32 $0xAAAAAAAB, s0;
	_ =	sdelay $0x1  }
0x15b: {  	s2 =	sshrl.u32 s2, $0x1  }
0x15c: {  	s2 =	smul.u32 $0x3, s2;
	_ =	sdelay $0x1  }
0x15d: {  	s2 =	ssub.s32 s0, s2  }
0x15e: {  	p2 =	seq.s32 s2, $0x2  }
.Ltmp19:
0x15f: {  	_ = 	snop;
	(pc) =	sbr.rel @p2 .LBB2_32-.Ltmp19, $2  }
0x160: {  	_ =	sdelay $0x2  }
0x161: {  	s0 =	sshll.u32 s0, $0xD  }
0x162: {  	p2 =	seq.s32 s2, $0x1  }
.Ltmp20:
0x163: {  	_ = 	snop;
	(pc) =	sbr.rel @!p2 .LBB2_30-.Ltmp20, $1  }
0x164: {  	_ =	sdelay $0x3  }
0x165: {  	_ =	swait.ge [sflag:s16], $0x8000;
	s30 =	simm.s32 $0xA000;
	s31 =	simm.s32 $0x5  }
0x166: {  	p2 =	seq.s32 s20, $0x1;
	[sflag:s16] =	ssyncset.done $0x0;
	s2 =	rddreg [dreg:$0x7]  }
0x167: {  	p3 =	sgt.u32 @!p2 s20, $0x2;
	[sflag:s16] =	ssyncadd.s32 $0xFFFF8000;
	s0 =	sadd.s32 s2, s0  }
0x168: {  	[hbm4b:s0+s5] =	stream.linear.scatter [tilespmem:s30], [sflag:$0x5], $0x8000, $0x38;
	[tilespmem:$0x1F400] =	vst v63  }
0x169: {  	p3 =	por p2, !p3;
	_ =	swait.ge [sflag:s31], $0x8000  }
.Ltmp21:
0x16a: {  	[sflag:s31] =	ssyncset.done $0x0;
	(pc) =	sbr.rel @!p3 .LBB2_34-.Ltmp21, $4  }
.Ltmp22:
0x16b: {  	s0 =	simm.s32 @!p2 $0x4;
	[sflag:s31] =	ssyncadd.s32 $0xFFFF8000;
	(pc) =	sbr.rel @p3 .LBB2_35-.Ltmp22, $4  }
0x16c: {  	_ =	swait.ge @!p2 [sflag:s0], $0x8000  }
0x16d: {  	[sflag:s0] =	ssyncset.done @!p2 $0x0  }
0x16e: {  	[sflag:s0] =	ssyncadd.s32 @!p2 $0xFFFF8000;
	s0 =	simm.s32 @!p2 $0x6  }
0x16f: {  	_ = 	snop  }
.LBB2_32:
0x170: {  	s2 =	simm.s32 $0x3  }
0x171: {  	s31 =	simm.s32 $0x6;
	_ =	swait.ge [sflag:s2], $0x8000  }
0x172: {  	p2 =	seq.s32 s20, $0x1;
	[sflag:s2] =	ssyncset.done $0x0;
	s30 =	rddreg [dreg:$0x7]  }
.Ltmp23:
0x173: {  	[sflag:s2] =	ssyncadd.s32 $0xFFFF8000;
	s0 =	sadd.s32 s30, s0;
	(pc) =	sbr.rel @p2 .LBB2_35-.Ltmp23, $4  }
0x174: {  	[hbm4b:s0+s5] =	stream.linear.scatter [tilespmem:s17], [sflag:$0x6], $0x8000, $0x38;
	[tilespmem:$0x1F400] =	vst v63  }
0x175: {  	_ =	swait.ge [sflag:s31], $0x8000  }
0x176: {  	[sflag:s31] =	ssyncset.done $0x0  }
0x177: {  	[sflag:s31] =	ssyncadd.s32 $0xFFFF8000  }
.Ltmp24:
0x178: {  	(pc) =	sbr.rel .LBB2_34-.Ltmp24, $4  }
0x179: {  	s0 =	simm.s32 $0x5  }
0x17a: {  	_ =	swait.ge [sflag:s0], $0x8000  }
0x17b: {  	[sflag:s0] =	ssyncset.done $0x0  }
0x17c: {  	[sflag:s0] =	ssyncadd.s32 $0xFFFF8000;
	s0 =	simm.s32 $0x4  }
.LBB2_30:
0x17d: {  	_ =	swait.ge [sflag:s21], $0x8000;
	s30 =	simm.s32 $0x2000;
	s31 =	simm.s32 $0x4  }
0x17e: {  	p2 =	seq.s32 s20, $0x1;
	[sflag:s21] =	ssyncset.done $0x0;
	s2 =	rddreg [dreg:$0x7]  }
0x17f: {  	p3 =	sgt.u32 @!p2 s20, $0x2;
	[sflag:s21] =	ssyncadd.s32 $0xFFFF8000;
	s0 =	sadd.s32 s2, s0  }
0x180: {  	[hbm4b:s0+s5] =	stream.linear.scatter [tilespmem:s30], [sflag:$0x4], $0x8000, $0x38;
	[tilespmem:$0x1F400] =	vst v63  }
0x181: {  	p3 =	por p2, !p3;
	_ =	swait.ge [sflag:s31], $0x8000  }
.Ltmp25:
0x182: {  	[sflag:s31] =	ssyncset.done $0x0;
	(pc) =	sbr.rel @p3 .LBB2_35-.Ltmp25, $4  }
0x183: {  	s0 =	simm.s32 @!p2 $0x6;
	[sflag:s31] =	ssyncadd.s32 $0xFFFF8000  }
0x184: {  	_ =	swait.ge @!p2 [sflag:s0], $0x8000  }
0x185: {  	[sflag:s0] =	ssyncset.done @!p2 $0x0  }
0x186: {  	[sflag:s0] =	ssyncadd.s32 @!p2 $0xFFFF8000;
	s0 =	simm.s32 @!p2 $0x5  }
.LBB2_34:
0x187: {  	_ =	swait.ge [sflag:s0], $0x8000  }
0x188: {  	[sflag:s0] =	ssyncset.done $0x0  }
0x189: {  	[sflag:s0] =	ssyncadd.s32 $0xFFFF8000  }
.LBB2_35:
.Ltmp26:
0x18a: {  	(pc) =	sbr.rel @!p1 .LBB2_41-.Ltmp26, $1  }
0x18b: {  	_ =	sdelay $0x3  }
0x18c: {  	s0 =	rddreg [dreg:$0xd]  }
0x18d: {  	s3 =	rddreg [dreg:$0xc];
	p1 =	sne.s32 s0, s23;
	s0 =	simm.s32 $0x1  }
0x18e: {  	s2 =	sshra.s32 s3, $0x1F;
	s0 =	simm.s32 @!p1 $0x0  }
0x18f: {  	s31 =	sand.u32 $0x1, s3;
	s0 =	sor.u32 s0, s2  }
0x190: {  	p2 =	seq.s32 s31, $0x1;
	p6 =	sne.s32 s0, $0x1  }
0x191: {  	s7 =	sshrl.u32 s3, $0x1F;
	p1 =	por !p6, !p2  }
0x192: {  	s2 =	simm.s32 $0x1;
	s0 =	sadd.s32 s7, s3;
	p1 =	por !p1, !p1  }
0x193: {  	s0 =	sshra.s32 s0, $0x1;
	s2 =	simm.s32 @!p1 $0x0  }
0x194: {  	s24 =	ssub.s32 s0, s2  }
0x195: {  	s0 =	sshll.u32 s24, $0x9  }
0x196: {  	s0 =	sshra.s32 s0, $0x2  }
0x197: {  	v7 =	vld [tilespmem:s0+$0x1E000];
	_ =	sdelay $0x4  }
0x198: {  	v8 =	vshll.u32 v7, $0x3  }
0x199: {  	v7 =	vand.u32 $0x7, v7;
	v8 =	vand.u32 $0xFFFFFFC0, v8  }
0x19a: {  	v7 =	vor.u32 v7, v8  }
0x19b: {  	v8 =	vperm.xlane v7, v3;
	_ =	sdelay $0x1  }
0x19c: {  	v8 =	vadd.s32 v4, v8;
	_ =	sdelay $0x3  }
0x19d: {  	s15 =	simm.s32 $0x2000  }
0x19e: {  	[tilespmem:s15], [sflag:$0x1] =	stream.indirect_vreg.gather [hbm4b:s1+s5], $0x80, v8, vm0, $0xb8;
	[tilespmem:$0x1F400] =	vst v63  }
0x19f: {  	s18 =	simm.s32 $0x2800;
	v7 =	vperm.xlane v7, v5  }
0x1a0: {  	[tilespmem:s18], [sflag:$0x1] =	stream.indirect_vreg.gather [hbm4b:s11+s5], $0x80, v8, vm0, $0xb8;
	[tilespmem:$0x1F400] =	vst v63  }
0x1a1: {  	s20 =	simm.s32 $0x3000;
	v7 =	vadd.s32 v4, v7  }
0x1a2: {  	[tilespmem:s20], [sflag:$0x1] =	stream.indirect_vreg.gather [hbm4b:s12+s5], $0x80, v8, vm0, $0xb8;
	[tilespmem:$0x1F400] =	vst v63  }
0x1a3: {  	s28 =	simm.s32 $0x3800  }
0x1a4: {  	[tilespmem:s28], [sflag:$0x1] =	stream.indirect_vreg.gather [hbm4b:s13+s5], $0x80, v8, vm0, $0xb8;
	[tilespmem:$0x1F400] =	vst v63  }
0x1a5: {  	s29 =	simm.s32 $0x4000  }
0x1a6: {  	[tilespmem:s29], [sflag:$0x1] =	stream.indirect_vreg.gather [hbm4b:s1+s5], $0x80, v7, vm0, $0xb8;
	[tilespmem:$0x1F400] =	vst v63  }
0x1a7: {  	s30 =	simm.s32 $0x4800  }
0x1a8: {  	[tilespmem:s30], [sflag:$0x1] =	stream.indirect_vreg.gather [hbm4b:s11+s5], $0x80, v7, vm0, $0xb8;
	[tilespmem:$0x1F400] =	vst v63  }
0x1a9: {  	s31 =	simm.s32 $0x5000  }
0x1aa: {  	[tilespmem:s31], [sflag:$0x1] =	stream.indirect_vreg.gather [hbm4b:s12+s5], $0x80, v7, vm0, $0xb8;
	[tilespmem:$0x1F400] =	vst v63  }
0x1ab: {  	s3 =	simm.s32 $0x5800  }
0x1ac: {  	[tilespmem:s3], [sflag:$0x1] =	stream.indirect_vreg.gather [hbm4b:s13+s5], $0x80, v7, vm0, $0xb8;
	[tilespmem:$0x1F400] =	vst v63  }
0x1ad: {  	v7 =	vld [tilespmem:s0+$0x1E010];
	_ =	sdelay $0x4  }
0x1ae: {  	v8 =	vshll.u32 v7, $0x3  }
0x1af: {  	v7 =	vand.u32 $0x7, v7;
	v8 =	vand.u32 $0xFFFFFFC0, v8  }
0x1b0: {  	v7 =	vor.u32 v7, v8  }
0x1b1: {  	v8 =	vperm.xlane v7, v3;
	_ =	sdelay $0x1  }
0x1b2: {  	v8 =	vadd.s32 v4, v8;
	_ =	sdelay $0x3  }
0x1b3: {  	s7 =	simm.s32 $0x6000  }
0x1b4: {  	[tilespmem:s7], [sflag:$0x1] =	stream.indirect_vreg.gather [hbm4b:s1+s5], $0x80, v8, vm0, $0xb8;
	[tilespmem:$0x1F400] =	vst v63  }
0x1b5: {  	s15 =	simm.s32 $0x6800;
	v7 =	vperm.xlane v7, v5  }
0x1b6: {  	[tilespmem:s15], [sflag:$0x1] =	stream.indirect_vreg.gather [hbm4b:s11+s5], $0x80, v8, vm0, $0xb8;
	[tilespmem:$0x1F400] =	vst v63  }
0x1b7: {  	s18 =	simm.s32 $0x7000;
	v7 =	vadd.s32 v4, v7  }
0x1b8: {  	[tilespmem:s18], [sflag:$0x1] =	stream.indirect_vreg.gather [hbm4b:s12+s5], $0x80, v8, vm0, $0xb8;
	[tilespmem:$0x1F400] =	vst v63  }
0x1b9: {  	s20 =	simm.s32 $0x7800  }
0x1ba: {  	[tilespmem:s20], [sflag:$0x1] =	stream.indirect_vreg.gather [hbm4b:s13+s5], $0x80, v8, vm0, $0xb8;
	[tilespmem:$0x1F400] =	vst v63  }
0x1bb: {  	s28 =	simm.s32 $0x8000  }
0x1bc: {  	[tilespmem:s28], [sflag:$0x1] =	stream.indirect_vreg.gather [hbm4b:s1+s5], $0x80, v7, vm0, $0xb8;
	[tilespmem:$0x1F400] =	vst v63  }
0x1bd: {  	s29 =	simm.s32 $0x8800  }
0x1be: {  	[tilespmem:s29], [sflag:$0x1] =	stream.indirect_vreg.gather [hbm4b:s11+s5], $0x80, v7, vm0, $0xb8;
	[tilespmem:$0x1F400] =	vst v63  }
0x1bf: {  	p1 =	sgt.u32 s22, $0x1F;
	s30 =	simm.s32 $0x9000  }
0x1c0: {  	[tilespmem:s30], [sflag:$0x1] =	stream.indirect_vreg.gather [hbm4b:s12+s5], $0x80, v7, vm0, $0xb8;
	[tilespmem:$0x1F400] =	vst v63  }
.Ltmp27:
0x1c1: {  	s31 =	simm.s32 $0x9800;
	(pc) =	sbr.rel @p1 .LBB2_40-.Ltmp27, $4  }
0x1c2: {  	[tilespmem:s31], [sflag:$0x1] =	stream.indirect_vreg.gather [hbm4b:s13+s5], $0x80, v7, vm0, $0xb8;
	[tilespmem:$0x1F400] =	vst v63  }
0x1c3: {  	_ =	swait.ge [sflag:s21], $0x8000  }
0x1c4: {  	[sflag:s21] =	ssyncset.done $0x0  }
0x1c5: {  	[sflag:s21] =	ssyncadd.s32 $0xFFFF8000  }
.LBB2_37:
0x1c6: {  	s0 =	sshll.u32 s22, $0xA;
	s2 =	sshll.u32 s22, $0x7  }
0x1c7: {  	s0 =	sand.u32 $0x7FFFE000, s0;
	s2 =	sand.u32 $0x380, s2  }
0x1c8: {  	s2 =	sor.u32 s2, s0;
	s0 =	simm.s32 $0x0  }
0x1c9: {  	s2 =	sadd.s32 $0x2000, s2;
	s3 =	sand.u32 $0x1C00, s0  }
0x1ca: {  	s7 =	sand.u32 $0x70, s0;
	s15 =	sadd.s32 s3, s2  }
0x1cb: {  	s3 =	simm.s32 $0x10;
	s18 =	sadd.s32 s7, s15  }
.LBB2_38:
0x1cc: {  	p1 =	sne.s32 s3, $0x3F0  }
0x1cd: {  	[tilespmem:s18+$0x0] =	vst v6;
	s0 =	sadd.s32 $0x80, s0;
	s7 =	smov.u32 s3;
	s3 =	sadd.s32 $0x10, s3  }
.Ltmp28:
0x1ce: {  	(pc) =	sbr.rel @p1 .LBB2_38-.Ltmp28, $4  }
0x1cf: {  	_ = 	snop  }
0x1d0: {  	s15 =	sand.u32 $0x1C00, s0  }
0x1d1: {  	s7 =	sand.u32 $0x70, s7;
	s15 =	sadd.s32 s15, s2  }
0x1d2: {  	s18 =	sadd.s32 s7, s15  }
0x1d3: {  	s22 =	sadd.s32 $0x1, s22  }
0x1d4: {  	p1 =	sne.s32 s22, $0x20  }
.Ltmp29:
0x1d5: {  	_ = 	snop;
	(pc) =	sbr.rel @p1 .LBB2_37-.Ltmp29, $2  }
0x1d6: {  	_ =	sdelay $0x2  }
0x1d7: {  	[tilespmem:s18+$0x0] =	vst v6  }
.LBB2_40:
0x1d8: {  	s0 =	sshll.u32 s24, $0xD;
	s2 =	rddreg [dreg:$0x7]  }
0x1d9: {  	s31 =	simm.s32 $0x2000;
	s24 =	simm.s32 $0x8;
	s0 =	sadd.s32 s2, s0  }
0x1da: {  	[hbm4b:s0+s5] =	stream.linear.scatter [tilespmem:s31], [sflag:$0x8], $0x8000, $0x38;
	[tilespmem:$0x1F400] =	vst v63  }
0x1db: {  	_ =	swait.ge [sflag:s24], $0x8000  }
0x1dc: {  	[sflag:s24] =	ssyncset.done $0x0  }
0x1dd: {  	s7 =	simm.s32 $0x12800;
	s15 =	simm.s32 $0x13000;
	[sflag:s24] =	ssyncadd.s32 $0xFFFF8000  }
.LBB2_41:
0x1de: {  	s0 =	rddreg [dreg:$0xa]  }
0x1df: {  	v8 =	vor.u32 s25, v0;
	v7 =	vmov s0  }
0x1e0: {  	vm1 =	vlt.s32 v8, v7  }
0x1e1: {  	s3 =	simm.s32 $0x0;
	s2 =	smov.u32 s25;
	s0 =	simm.s32 $0x40;
	v8 =	vsel vm1, $0x1, v2  }
.LBB2_42:
0x1e2: {  	p1 =	sne.s32 s0, $0xFC0  }
0x1e3: {  	[tilespmem:s3+$0x1F000] =	vst v8;
	s2 =	sadd.s32 $0x10, s2;
	s3 =	smov.u32 s0;
	s0 =	sadd.s32 $0x40, s0  }
.Ltmp30:
0x1e4: {  	(pc) =	sbr.rel @p1 .LBB2_42-.Ltmp30, $4  }
0x1e5: {  	_ = 	snop  }
0x1e6: {  	v8 =	vor.u32 s2, v0  }
0x1e7: {  	vm1 =	vlt.s32 v8, v7  }
0x1e8: {  	s3 =	sshra.s32 s3, $0x2;
	v8 =	vsel vm1, $0x1, v2  }
.Ltmp31:
0x1e9: {  	[tilespmem:s3+$0x1F000] =	vst v8;
	s0 =	simm.s32 $0x1F000;
	(pc) =	sbr.rel @p0 .LBB2_47-.Ltmp31, $4  }
0x1ea: {  	[hbm4b:s26+s5] =	stream.linear.scatter [tilespmem:s0], [sflag:$0x8], $0x400, $0x38;
	[tilespmem:$0x1F400] =	vst v63  }
0x1eb: {  	_ =	swait.ge [sflag:s24], $0x400  }
0x1ec: {  	[sflag:s24] =	ssyncset.done $0x0  }
0x1ed: {  	s2 =	rddreg [dreg:$0x9];
	[sflag:s24] =	ssyncadd.s32 $0xFFFFFC00  }
0x1ee: {  	s0 =	rddreg [dreg:$0xb]  }
0x1ef: {  	s0 =	ssub.s32 s0, s6  }
0x1f0: {  	s0 =	sadd.s32 $0x1, s0  }
0x1f1: {  	p0 =	sne.s32 s0, $0x1  }
.Ltmp32:
0x1f2: {  	_ = 	snop;
	(pc) =	sbr.rel @!p0 .LBB2_46-.Ltmp32, $3  }
0x1f3: {  	_ =	sdelay $0x1  }
0x1f4: {  	_ =	swait.ge [sflag:s8], $0x4000  }
0x1f5: {  	[sflag:s8] =	ssyncset.done $0x0;
	s0 =	sadd.s32 $0xFFFFFFFF, s0  }
.LBB2_45:
0x1f6: {  	p0 =	sne.s32 s0, $0x1;
	s0 =	sadd.s32 $0xFFFFFFFF, s0;
	[sflag:s8] =	ssyncadd.s32 $0xFFFFC000  }
.Ltmp33:
0x1f7: {  	(pc) =	sbr.rel @p0 .LBB2_45-.Ltmp33, $3  }
0x1f8: {  	_ =	sdelay $0x1  }
0x1f9: {  	_ =	swait.ge [sflag:s8], $0x4000  }
0x1fa: {  	[sflag:s8] =	ssyncset.done $0x0  }
.Ltmp34:
0x1fb: {  	_ = 	snop;
	(pc) =	sbr.rel .LBB2_46-.Ltmp34, $1  }
0x1fc: {  	_ =	sdelay $0x3  }
.LBB2_14:
.Ltmp35:
0x1fd: {  	(pc) =	sbr.rel .LBB2_24-.Ltmp35, $2  }
0x1fe: {  	_ =	sdelay $0x2  }
0x1ff: {  	_ = 	snop  }
.LBB2_21:
.Ltmp36:
0x200: {  	(pc) =	sbr.rel .LBB2_24-.Ltmp36, $3  }
0x201: {  	_ =	sdelay $0x1  }
0x202: {  	s18 =	smov.u32 s2  }
0x203: {  	s17 =	simm.s32 $0x12000;
	s7 =	simm.s32 $0x12800;
	s15 =	simm.s32 $0x13000  }
.LBB2_7:
.Ltmp37:
0x204: {  	(pc) =	sbr.rel .LBB2_12-.Ltmp37, $2  }
0x205: {  	_ =	sdelay $0x2  }
0x206: {  	s31 =	smov.u32 s18  }
.LBB2_9:
.Ltmp38:
0x207: {  	(pc) =	sbr.rel .LBB2_12-.Ltmp38, $4  }
0x208: {  	s31 =	smov.u32 s18;
	s23 =	smov.u32 s9  }
0x209: {  	s0 =	smov.u32 s24;
	s9 =	smov.u32 s28;
	s24 =	simm.s32 $0x8  }
0x20a: {  	s17 =	simm.s32 $0x12000;
	s7 =	simm.s32 $0x12800;
	s15 =	simm.s32 $0x13000  }
0x20b: {  	s20 =	rddreg [dreg:$0xe];
	s28 =	smov.u32 s25;
	s25 =	smov.u32 s0  }
.LBB2_48:
0x20c: {  	_ =	sfence.sel $0x180000  }
0x20d: {  	[bflag:$0x0] =	sbarrier.arrive $0xFFFF  }
0x20e: {  	_ =	strace $0x90000047  }
0x20f: {  	s0 =	stileid.u32;
	[bflag:$0x2] =	sbarrier.arrive $0xFFFF  }
0x210: {  	p0 =	sne.s32 s0, $0x0;
	s0 =	rddreg [dreg:$0x4]  }
0x211: {  	s0 =	sadd.s32 @!p0 $0x100000, s0  }
0x212: {  	[sflag:s0] =	ssyncadd.tile.s32 @!p0 $0x1;
	_ =	shalt  }
.Lfunc_end2:
_tile_overlayer_lowered:
.L_overlay_start_2:
0x213: {  	(tag) =	ssettag $0x2  }
0x214: {  	s0 =	rddreg [dreg:$0x0];
	s2 =	stileid.u32  }
0x215: {  	s1 =	rddreg [dreg:$0x1];
	p0 =	sne.s32 s2, $0x0  }
0x216: {  	s3 =	rddreg [dreg:$0x2];
	[bflag:$0x3] =	sbarrier.arrive $0xFFFF;
	s2 =	simm.s32 @!p0 $0x1C08  }
0x217: {  	[timem:s3], [sflag:s2] =	dma.local @!p0 [hbm:s0], s1  }
0x218: {  	s0 =	simm.s32 @!p0 $0x8  }
0x219: {  	_ =	swait.ge @!p0 [sflag:s0], s1  }
0x21a: {  	s1 =	ssub.s32 @!p0 $0x0, s1;
	[sflag:s0] =	ssyncset.done @!p0 $0x0  }
0x21b: {  	[sflag:s0] =	ssyncadd.s32 @!p0 s1  }
0x21c: {  	[bflag:$0x3] =	sbarrier.arrive $0xFFFF  }
0x21d: {  	_ =	shalt  }

</sc_bundles>
